<compile_context>
chip_gen: v7x
topology: tpu7x:2x2x1
jax: 0.10.2.dev20260603
libtpu: 0.0.44.dev20260713+nightly
codegen_flags: <defaults>
</compile_context>

<pallas_src>
import jax
import jax.numpy as jnp
import numpy as np
from jax import lax
from jax.experimental import pallas as pl
from jax.experimental.pallas import tpu as pltpu
from jax.experimental.pallas import tpu_sc as plsc

_N_OBJ = 16384
_NUM_CAT = 201
_MAX_ATTR = 10
_BGFG_RATIO = 5.0
_LOSS_WEIGHT = 0.1

_ROTS = ((13, 15, 26, 6), (17, 29, 16, 24))


def _threefry2x32(k0, k1, x0, x1):
    x0 = x0.astype(np.uint32).copy()
    x1 = x1.astype(np.uint32).copy()
    ks = (
        np.uint32(k0),
        np.uint32(k1),
        np.uint32(np.uint32(k0) ^ np.uint32(k1) ^ np.uint32(0x1BD11BDA)),
    )
    x0 += ks[0]
    x1 += ks[1]
    for g in range(5):
        for r in _ROTS[g % 2]:
            x0 += x1
            x1 = ((x1 << np.uint32(r)) | (x1 >> np.uint32(32 - r))).astype(np.uint32)
            x1 ^= x0
        x0 += ks[(g + 1) % 3]
        x1 += ks[(g + 2) % 3] + np.uint32(g + 1)
    return x0, x1


def _bits(key, n):
    y0, y1 = _threefry2x32(
        key[0], key[1], np.zeros(n, dtype=np.uint32), np.arange(n, dtype=np.uint32)
    )
    return y0 ^ y1


def _split(key):
    y0, y1 = _threefry2x32(
        key[0], key[1], np.zeros(2, dtype=np.uint32), np.arange(2, dtype=np.uint32)
    )
    return (y0[0], y1[0]), (y0[1], y1[1])


_T_CONST = None


def _t_const():
    global _T_CONST
    if _T_CONST is None:
        key = (np.uint32(0), np.uint32(1))
        perm = np.arange(_N_OBJ, dtype=np.int32)
        for _ in range(2):
            key, sub = _split(key)
            perm = perm[np.argsort(_bits(sub, _N_OBJ), kind="stable")]
        inv = np.empty((_N_OBJ,), dtype=np.int32)
        inv[perm] = np.arange(_N_OBJ, dtype=np.int32)
        _T_CONST = inv.reshape(128, 128)
    return _T_CONST


_ABLK = 4096
_ANBLK = _N_OBJ // _ABLK


def _dense_kernel(x_ref, out_ref):
    i = pl.program_id(0)
    x = x_ref[...].astype(jnp.bfloat16)
    sp = jnp.maximum(x, jnp.bfloat16(0.0)) + jnp.log1p(jnp.exp(-jnp.abs(x)))
    rsum = jnp.sum(sp, axis=1, keepdims=True).astype(jnp.float32)
    out_ref[pl.ds(i, 1), :] = rsum.reshape(1, _ABLK)


def _dense_call(logits):
    return pl.pallas_call(
        _dense_kernel,
        grid=(_ANBLK,),
        in_specs=[pl.BlockSpec((_ABLK, _NUM_CAT), lambda i: (i, 0))],
        out_specs=pl.BlockSpec((_ANBLK, _ABLK), lambda i: (0, 0)),
        out_shape=jax.ShapeDtypeStruct((_ANBLK, _ABLK), jnp.float32),
    )(logits)


_NW = 32
_RPW = _N_OBJ // _NW
_NGRP = _RPW // 16


def _sc_gather_kernel(logits_hbm, attrT_hbm, b_hbm, pos_hbm,
                      x_v, a_v, b_v, pos_v):
    wid = lax.axis_index("s") * 2 + lax.axis_index("c")
    base = wid * _RPW

    pltpu.sync_copy(logits_hbm.at[pl.ds(base * _NUM_CAT, _RPW * _NUM_CAT)], x_v)
    for k in range(_MAX_ATTR):
        pltpu.sync_copy(
            attrT_hbm.at[pl.ds(k * _N_OBJ + base, _RPW)],
            a_v.at[pl.ds(k * _RPW, _RPW)],
        )

    def body(g, _):
        rowbase = jax.lax.iota(jnp.int32, 16) * _NUM_CAT + g * (16 * _NUM_CAT)
        cols = [a_v[pl.ds(k * _RPW + g * 16, 16)] for k in range(_MAX_ATTR)]
        nz = [c != 0 for c in cols]
        bacc = jnp.zeros((16,), jnp.float32)
        pos = nz[0]
        valid = nz[0]
        for k in range(_MAX_ATTR):
            if k > 0:
                pos = pos | nz[k]
                valid = valid & nz[k]
            w = valid
            for j in range(k):
                w = w & (cols[j] != cols[k])
            safe = jnp.where(w, cols[k], 0)
            vals = plsc.load_gather(x_v, [rowbase + safe])
            bacc = bacc + jnp.where(w, vals, 0.0)
        b_v[pl.ds(g * 16, 16)] = bacc
        pos_v[pl.ds(g * 16, 16)] = jnp.where(pos, 1.0, 0.0)
        return ()

    jax.lax.fori_loop(0, _NGRP, body, (), unroll=False)

    pltpu.sync_copy(b_v, b_hbm.at[pl.ds(base, _RPW)])
    pltpu.sync_copy(pos_v, pos_hbm.at[pl.ds(base, _RPW)])


def _sc_gather_call(logits_flat, attrT_flat):
    mesh = plsc.VectorSubcoreMesh(core_axis_name="c", subcore_axis_name="s")
    run = pl.kernel(
        _sc_gather_kernel,
        mesh=mesh,
        compiler_params=pltpu.CompilerParams(needs_layout_passes=False),
        out_type=(
            jax.ShapeDtypeStruct((_N_OBJ,), jnp.float32),
            jax.ShapeDtypeStruct((_N_OBJ,), jnp.float32),
        ),
        scratch_types=[
            pltpu.VMEM((_RPW * _NUM_CAT,), jnp.float32),
            pltpu.VMEM((_MAX_ATTR * _RPW,), jnp.int32),
            pltpu.VMEM((_RPW,), jnp.float32),
            pltpu.VMEM((_RPW,), jnp.float32),
        ],
    )
    return run(logits_flat, attrT_flat)


def _combine_kernel(a_ref, b_ref, pos_ref, t_ref, out_ref):
    lrow = a_ref[...] - b_ref[...]
    posf = pos_ref[...]
    negf = 1.0 - posf
    t = t_ref[...]

    num_pos = jnp.sum(posf)
    num_neg = jnp.float32(_N_OBJ) - num_pos
    m = jnp.where(
        num_pos > 0.0,
        jnp.minimum(num_neg, num_pos * _BGFG_RATIO),
        jnp.minimum(jnp.float32(1.0), num_neg),
    )

    def body(_, carry):
        lo, hi = carry
        mid = (lo + hi) // 2
        cnt = jnp.sum(negf * (t < mid).astype(jnp.float32))
        big = cnt >= m
        return (jnp.where(big, lo, mid), jnp.where(big, mid, hi))

    _, tau = jax.lax.fori_loop(0, 15, body, (jnp.int32(0), jnp.int32(_N_OBJ)))

    selneg = negf * (t < tau).astype(jnp.float32)
    total = jnp.sum(lrow * (posf + selneg))
    denom = (num_pos + m) * jnp.float32(_NUM_CAT)
    out_ref[...] = (_LOSS_WEIGHT * total / denom).reshape(1, 1)


def _combine_call(arow, brow, posrow, t):
    shp = (128, 128)
    return pl.pallas_call(
        _combine_kernel,
        in_specs=[pl.BlockSpec(shp, lambda: (0, 0))] * 4,
        out_specs=pl.BlockSpec((1, 1), lambda: (0, 0)),
        out_shape=jax.ShapeDtypeStruct((1, 1), jnp.float32),
    )(arow.reshape(shp), brow.reshape(shp), posrow.reshape(shp), t)


@jax.jit
def _run(attribute_logits, attributes, t):
    attrT = attributes.T.reshape(-1)
    brow, posrow = _sc_gather_call(attribute_logits.reshape(-1), attrT)
    arow = _dense_call(attribute_logits)
    out = _combine_call(arow.reshape(-1), brow, posrow, t)
    return out[0, 0]


def kernel(attribute_logits, attributes):
    return _run(attribute_logits, attributes, _t_const())

# --- scband reference (transcript-rebuilt; emitter-appended) ---
"""Pipeline reference for scband-attribute-head-loss-computation-13615046329039 (READ-ONLY COPY).

The authoritative reference and input builder live on the scoring server;
editing this copy changes nothing except your own understanding.
"""

import jax, jax.numpy as jnp
import numpy as np

LOSS_WEIGHT = 0.1
NUM_ATTRIBUTE_CAT = 201
ATTRIBUTE_SAMPLING = True
ATTRIBUTE_BGFG_RATIO = 5
USE_BINARY_LOSS = True
POS_WEIGHT = 1.0

N_OBJ = 16384
MAX_NUM_ATTR = 10


def setup_inputs(seed: int = 0) -> dict:
    key = jax.random.key(seed)
    k1, k2 = jax.random.split(key)
    attribute_logits = jax.random.normal(k1, (N_OBJ, NUM_ATTRIBUTE_CAT), dtype=jnp.float32)
    attributes = jax.random.randint(k2, (N_OBJ, MAX_NUM_ATTR), 0, 201, dtype=jnp.int32)
    return {"attribute_logits": attribute_logits, "attributes": attributes}


def _generate_attributes_target(attributes):
    num_obj = attributes.shape[0]
    with_attribute_idx = (attributes.sum(-1) > 0).astype(jnp.int32)
    without_attribute_idx = 1 - with_attribute_idx
    num_pos = with_attribute_idx.sum()
    num_neg = without_attribute_idx.sum()
    if ATTRIBUTE_SAMPLING:
        num_neg = jnp.where(
            num_pos > 0,
            jnp.minimum(num_neg, num_pos * ATTRIBUTE_BGFG_RATIO),
            jnp.minimum(jnp.int32(1), num_neg),
        )
    # one-hot targets: for each pos row, set attribute ids until first 0 (break semantics)
    valid = jnp.cumprod((attributes != 0).astype(jnp.int32), axis=1)  # [N, K]
    onehot = jax.nn.one_hot(attributes, NUM_ATTRIBUTE_CAT, dtype=jnp.float32)  # [N, K, C]
    attribute_targets = jnp.max(valid[:, :, None].astype(jnp.float32) * onehot, axis=1)  # [N, C]
    n_neg_total = without_attribute_idx.sum()
    num_neg = jnp.minimum(num_neg, n_neg_total)
    perm = jax.random.permutation(jax.random.key(1), num_obj)
    neg_in_perm = without_attribute_idx[perm]  # [N], 1 where perm slot holds a negative row
    order = (jnp.cumsum(neg_in_perm) - neg_in_perm).astype(jnp.int32)  # 0-based rank among negatives
    neg_rank = jnp.zeros((num_obj,), dtype=jnp.int32).at[perm].set(order)
    neg_selected = (without_attribute_idx > 0) & (neg_rank < num_neg)
    selected_mask = (with_attribute_idx > 0) | neg_selected
    return attribute_targets, selected_mask


def _attribute_loss(logits, labels, mask):
    # binary_cross_entropy_with_logits with pos_weight, mean reduction over selected rows
    pos_weight = jnp.full((NUM_ATTRIBUTE_CAT,), POS_WEIGHT, dtype=jnp.float32)
    log_weight = 1.0 + (pos_weight - 1.0) * labels
    loss = (1.0 - labels) * logits + log_weight * (
        jnp.log1p(jnp.exp(-jnp.abs(logits))) + jnp.maximum(-logits, 0.0)
    )
    mask_f = mask.astype(jnp.float32)
    loss = loss * mask_f[:, None]
    denom = mask_f.sum() * jnp.float32(loss.shape[-1])
    return jnp.sum(loss) / denom


def reference(attribute_logits, attributes):
    attribute_targets, selected_mask = _generate_attributes_target(attributes)
    attribute_loss = _attribute_loss(attribute_logits, attribute_targets, selected_mask)
    return attribute_loss * LOSS_WEIGHT

if __name__ == "__main__":
    import jax
    _d = setup_inputs()
    print(jax.jit(kernel)(*tuple(_d.values())))

</pallas_src>

<mosaic_0001>
#map = affine_map<(d0, d1) -> (0)>
module attributes {stable_mosaic.version = 14 : i64} {
  func.func @_sc_gather_kernel(%arg0: i32, %arg1: i32, %arg2: memref<3293184xf32, #tpu.memory_space<hbm>>, %arg3: memref<163840xi32, #tpu.memory_space<hbm>>, %arg4: memref<16384xf32, #tpu.memory_space<hbm>>, %arg5: memref<16384xf32, #tpu.memory_space<hbm>>, %arg6: memref<102912xf32, #tpu.memory_space<vmem>>, %arg7: memref<5120xi32, #tpu.memory_space<vmem>>, %arg8: memref<512xf32, #tpu.memory_space<vmem>>, %arg9: memref<512xf32, #tpu.memory_space<vmem>>) attributes {dimension_semantics = [#tpu.dimension_semantics<core_parallel>, #tpu.dimension_semantics<subcore_parallel>], iteration_bounds = array<i64: 2, 16>, scalar_prefetch = 0 : i64, scratch_operands = 4 : i64, tpu.core_type = #tpu.core_type<sc_vector_subcore>, window_params = [{transform_indices = #map}, {transform_indices = #map}, {transform_indices = #map}, {transform_indices = #map}]} {
    %mul3A = arith.constant 2 : i32
    %mul3A_0 = arith.muli %arg1, %mul3A : i32
    %add3A = arith.addi %mul3A_0, %arg0 : i32
    %mul3A_1 = arith.constant 512 : i32
    %mul3A_2 = arith.muli %add3A, %mul3A_1 : i32
    %mul3A_3 = arith.constant 201 : i32
    %mul3A_4 = arith.muli %mul3A_2, %mul3A_3 : i32
    "tpu.region"() ({
      %run_scoped3A = tpu.sem_alloc : memref<!tpu.dma_semaphore, #tpu.memory_space<semaphore_mem>>
      %dma_start3A = tpu.memref_slice %arg2[%mul3A_4] : memref<3293184xf32, #tpu.memory_space<hbm>> -> memref<102912xf32, #tpu.memory_space<hbm>>
      %dma_start3A_29 = tpu.memref_slice %arg2[%mul3A_4] : memref<3293184xf32, #tpu.memory_space<hbm>> -> memref<102912xf32, #tpu.memory_space<hbm>>
      tpu.enqueue_dma source(%dma_start3A_29 : memref<102912xf32, #tpu.memory_space<hbm>>) target(%arg6 : memref<102912xf32, #tpu.memory_space<vmem>>) target_semaphore(%run_scoped3A : memref<!tpu.dma_semaphore, #tpu.memory_space<semaphore_mem>>)
      %dma_wait3A = tpu.memref_slice %arg2[%mul3A_4] : memref<3293184xf32, #tpu.memory_space<hbm>> -> memref<102912xf32, #tpu.memory_space<hbm>>
      %dma_wait3A_30 = tpu.memref_slice %arg2[%mul3A_4] : memref<3293184xf32, #tpu.memory_space<hbm>> -> memref<102912xf32, #tpu.memory_space<hbm>>
      tpu.wait_dma2 semaphore(%run_scoped3A : memref<!tpu.dma_semaphore, #tpu.memory_space<semaphore_mem>>) src(%dma_wait3A_30 : memref<102912xf32, #tpu.memory_space<hbm>>) dst(%arg6 : memref<102912xf32, #tpu.memory_space<vmem>>)
      tpu.yield
    }) : () -> ()
    %add3A_5 = arith.constant 0 : i32
    %add3A_6 = arith.addi %add3A_5, %mul3A_2 : i32
    "tpu.region"() ({
      %run_scoped3A = tpu.sem_alloc : memref<!tpu.dma_semaphore, #tpu.memory_space<semaphore_mem>>
      %dma_start3A = arith.constant 0 : i32
      %dma_start3A_29 = tpu.memref_slice %arg7[%dma_start3A] : memref<5120xi32, #tpu.memory_space<vmem>> -> memref<512xi32, #tpu.memory_space<vmem>>
      %dma_start3A_30 = tpu.memref_slice %arg3[%add3A_6] : memref<163840xi32, #tpu.memory_space<hbm>> -> memref<512xi32, #tpu.memory_space<hbm>>
      %dma_start3A_31 = arith.constant 0 : i32
      %dma_start3A_32 = tpu.memref_slice %arg7[%dma_start3A_31] : memref<5120xi32, #tpu.memory_space<vmem>> -> memref<512xi32, #tpu.memory_space<vmem>>
      %dma_start3A_33 = tpu.memref_slice %arg3[%add3A_6] : memref<163840xi32, #tpu.memory_space<hbm>> -> memref<512xi32, #tpu.memory_space<hbm>>
      tpu.enqueue_dma source(%dma_start3A_33 : memref<512xi32, #tpu.memory_space<hbm>>) target(%dma_start3A_32 : memref<512xi32, #tpu.memory_space<vmem>>) target_semaphore(%run_scoped3A : memref<!tpu.dma_semaphore, #tpu.memory_space<semaphore_mem>>)
      %dma_wait3A = arith.constant 0 : i32
      %dma_wait3A_34 = tpu.memref_slice %arg7[%dma_wait3A] : memref<5120xi32, #tpu.memory_space<vmem>> -> memref<512xi32, #tpu.memory_space<vmem>>
      %dma_wait3A_35 = tpu.memref_slice %arg3[%add3A_6] : memref<163840xi32, #tpu.memory_space<hbm>> -> memref<512xi32, #tpu.memory_space<hbm>>
      %dma_wait3A_36 = arith.constant 0 : i32
      %dma_wait3A_37 = tpu.memref_slice %arg7[%dma_wait3A_36] : memref<5120xi32, #tpu.memory_space<vmem>> -> memref<512xi32, #tpu.memory_space<vmem>>
      %dma_wait3A_38 = tpu.memref_slice %arg3[%add3A_6] : memref<163840xi32, #tpu.memory_space<hbm>> -> memref<512xi32, #tpu.memory_space<hbm>>
      tpu.wait_dma2 semaphore(%run_scoped3A : memref<!tpu.dma_semaphore, #tpu.memory_space<semaphore_mem>>) src(%dma_wait3A_38 : memref<512xi32, #tpu.memory_space<hbm>>) dst(%dma_wait3A_37 : memref<512xi32, #tpu.memory_space<vmem>>)
      tpu.yield
    }) : () -> ()
    %add3A_7 = arith.constant 16384 : i32
    %add3A_8 = arith.addi %add3A_7, %mul3A_2 : i32
    "tpu.region"() ({
      %run_scoped3A = tpu.sem_alloc : memref<!tpu.dma_semaphore, #tpu.memory_space<semaphore_mem>>
      %dma_start3A = arith.constant 512 : i32
      %dma_start3A_29 = tpu.memref_slice %arg7[%dma_start3A] : memref<5120xi32, #tpu.memory_space<vmem>> -> memref<512xi32, #tpu.memory_space<vmem>>
      %dma_start3A_30 = tpu.memref_slice %arg3[%add3A_8] : memref<163840xi32, #tpu.memory_space<hbm>> -> memref<512xi32, #tpu.memory_space<hbm>>
      %dma_start3A_31 = arith.constant 512 : i32
      %dma_start3A_32 = tpu.memref_slice %arg7[%dma_start3A_31] : memref<5120xi32, #tpu.memory_space<vmem>> -> memref<512xi32, #tpu.memory_space<vmem>>
      %dma_start3A_33 = tpu.memref_slice %arg3[%add3A_8] : memref<163840xi32, #tpu.memory_space<hbm>> -> memref<512xi32, #tpu.memory_space<hbm>>
      tpu.enqueue_dma source(%dma_start3A_33 : memref<512xi32, #tpu.memory_space<hbm>>) target(%dma_start3A_32 : memref<512xi32, #tpu.memory_space<vmem>>) target_semaphore(%run_scoped3A : memref<!tpu.dma_semaphore, #tpu.memory_space<semaphore_mem>>)
      %dma_wait3A = arith.constant 512 : i32
      %dma_wait3A_34 = tpu.memref_slice %arg7[%dma_wait3A] : memref<5120xi32, #tpu.memory_space<vmem>> -> memref<512xi32, #tpu.memory_space<vmem>>
      %dma_wait3A_35 = tpu.memref_slice %arg3[%add3A_8] : memref<163840xi32, #tpu.memory_space<hbm>> -> memref<512xi32, #tpu.memory_space<hbm>>
      %dma_wait3A_36 = arith.constant 512 : i32
      %dma_wait3A_37 = tpu.memref_slice %arg7[%dma_wait3A_36] : memref<5120xi32, #tpu.memory_space<vmem>> -> memref<512xi32, #tpu.memory_space<vmem>>
      %dma_wait3A_38 = tpu.memref_slice %arg3[%add3A_8] : memref<163840xi32, #tpu.memory_space<hbm>> -> memref<512xi32, #tpu.memory_space<hbm>>
      tpu.wait_dma2 semaphore(%run_scoped3A : memref<!tpu.dma_semaphore, #tpu.memory_space<semaphore_mem>>) src(%dma_wait3A_38 : memref<512xi32, #tpu.memory_space<hbm>>) dst(%dma_wait3A_37 : memref<512xi32, #tpu.memory_space<vmem>>)
      tpu.yield
    }) : () -> ()
    %add3A_9 = arith.constant 32768 : i32
    %add3A_10 = arith.addi %add3A_9, %mul3A_2 : i32
    "tpu.region"() ({
      %run_scoped3A = tpu.sem_alloc : memref<!tpu.dma_semaphore, #tpu.memory_space<semaphore_mem>>
      %dma_start3A = arith.constant 1024 : i32
      %dma_start3A_29 = tpu.memref_slice %arg7[%dma_start3A] : memref<5120xi32, #tpu.memory_space<vmem>> -> memref<512xi32, #tpu.memory_space<vmem>>
      %dma_start3A_30 = tpu.memref_slice %arg3[%add3A_10] : memref<163840xi32, #tpu.memory_space<hbm>> -> memref<512xi32, #tpu.memory_space<hbm>>
      %dma_start3A_31 = arith.constant 1024 : i32
      %dma_start3A_32 = tpu.memref_slice %arg7[%dma_start3A_31] : memref<5120xi32, #tpu.memory_space<vmem>> -> memref<512xi32, #tpu.memory_space<vmem>>
      %dma_start3A_33 = tpu.memref_slice %arg3[%add3A_10] : memref<163840xi32, #tpu.memory_space<hbm>> -> memref<512xi32, #tpu.memory_space<hbm>>
      tpu.enqueue_dma source(%dma_start3A_33 : memref<512xi32, #tpu.memory_space<hbm>>) target(%dma_start3A_32 : memref<512xi32, #tpu.memory_space<vmem>>) target_semaphore(%run_scoped3A : memref<!tpu.dma_semaphore, #tpu.memory_space<semaphore_mem>>)
      %dma_wait3A = arith.constant 1024 : i32
      %dma_wait3A_34 = tpu.memref_slice %arg7[%dma_wait3A] : memref<5120xi32, #tpu.memory_space<vmem>> -> memref<512xi32, #tpu.memory_space<vmem>>
      %dma_wait3A_35 = tpu.memref_slice %arg3[%add3A_10] : memref<163840xi32, #tpu.memory_space<hbm>> -> memref<512xi32, #tpu.memory_space<hbm>>
      %dma_wait3A_36 = arith.constant 1024 : i32
      %dma_wait3A_37 = tpu.memref_slice %arg7[%dma_wait3A_36] : memref<5120xi32, #tpu.memory_space<vmem>> -> memref<512xi32, #tpu.memory_space<vmem>>
      %dma_wait3A_38 = tpu.memref_slice %arg3[%add3A_10] : memref<163840xi32, #tpu.memory_space<hbm>> -> memref<512xi32, #tpu.memory_space<hbm>>
      tpu.wait_dma2 semaphore(%run_scoped3A : memref<!tpu.dma_semaphore, #tpu.memory_space<semaphore_mem>>) src(%dma_wait3A_38 : memref<512xi32, #tpu.memory_space<hbm>>) dst(%dma_wait3A_37 : memref<512xi32, #tpu.memory_space<vmem>>)
      tpu.yield
    }) : () -> ()
    %add3A_11 = arith.constant 49152 : i32
    %add3A_12 = arith.addi %add3A_11, %mul3A_2 : i32
    "tpu.region"() ({
      %run_scoped3A = tpu.sem_alloc : memref<!tpu.dma_semaphore, #tpu.memory_space<semaphore_mem>>
      %dma_start3A = arith.constant 1536 : i32
      %dma_start3A_29 = tpu.memref_slice %arg7[%dma_start3A] : memref<5120xi32, #tpu.memory_space<vmem>> -> memref<512xi32, #tpu.memory_space<vmem>>
      %dma_start3A_30 = tpu.memref_slice %arg3[%add3A_12] : memref<163840xi32, #tpu.memory_space<hbm>> -> memref<512xi32, #tpu.memory_space<hbm>>
      %dma_start3A_31 = arith.constant 1536 : i32
      %dma_start3A_32 = tpu.memref_slice %arg7[%dma_start3A_31] : memref<5120xi32, #tpu.memory_space<vmem>> -> memref<512xi32, #tpu.memory_space<vmem>>
      %dma_start3A_33 = tpu.memref_slice %arg3[%add3A_12] : memref<163840xi32, #tpu.memory_space<hbm>> -> memref<512xi32, #tpu.memory_space<hbm>>
      tpu.enqueue_dma source(%dma_start3A_33 : memref<512xi32, #tpu.memory_space<hbm>>) target(%dma_start3A_32 : memref<512xi32, #tpu.memory_space<vmem>>) target_semaphore(%run_scoped3A : memref<!tpu.dma_semaphore, #tpu.memory_space<semaphore_mem>>)
      %dma_wait3A = arith.constant 1536 : i32
      %dma_wait3A_34 = tpu.memref_slice %arg7[%dma_wait3A] : memref<5120xi32, #tpu.memory_space<vmem>> -> memref<512xi32, #tpu.memory_space<vmem>>
      %dma_wait3A_35 = tpu.memref_slice %arg3[%add3A_12] : memref<163840xi32, #tpu.memory_space<hbm>> -> memref<512xi32, #tpu.memory_space<hbm>>
      %dma_wait3A_36 = arith.constant 1536 : i32
      %dma_wait3A_37 = tpu.memref_slice %arg7[%dma_wait3A_36] : memref<5120xi32, #tpu.memory_space<vmem>> -> memref<512xi32, #tpu.memory_space<vmem>>
      %dma_wait3A_38 = tpu.memref_slice %arg3[%add3A_12] : memref<163840xi32, #tpu.memory_space<hbm>> -> memref<512xi32, #tpu.memory_space<hbm>>
      tpu.wait_dma2 semaphore(%run_scoped3A : memref<!tpu.dma_semaphore, #tpu.memory_space<semaphore_mem>>) src(%dma_wait3A_38 : memref<512xi32, #tpu.memory_space<hbm>>) dst(%dma_wait3A_37 : memref<512xi32, #tpu.memory_space<vmem>>)
      tpu.yield
    }) : () -> ()
    %add3A_13 = arith.constant 65536 : i32
    %add3A_14 = arith.addi %add3A_13, %mul3A_2 : i32
    "tpu.region"() ({
      %run_scoped3A = tpu.sem_alloc : memref<!tpu.dma_semaphore, #tpu.memory_space<semaphore_mem>>
      %dma_start3A = arith.constant 2048 : i32
      %dma_start3A_29 = tpu.memref_slice %arg7[%dma_start3A] : memref<5120xi32, #tpu.memory_space<vmem>> -> memref<512xi32, #tpu.memory_space<vmem>>
      %dma_start3A_30 = tpu.memref_slice %arg3[%add3A_14] : memref<163840xi32, #tpu.memory_space<hbm>> -> memref<512xi32, #tpu.memory_space<hbm>>
      %dma_start3A_31 = arith.constant 2048 : i32
      %dma_start3A_32 = tpu.memref_slice %arg7[%dma_start3A_31] : memref<5120xi32, #tpu.memory_space<vmem>> -> memref<512xi32, #tpu.memory_space<vmem>>
      %dma_start3A_33 = tpu.memref_slice %arg3[%add3A_14] : memref<163840xi32, #tpu.memory_space<hbm>> -> memref<512xi32, #tpu.memory_space<hbm>>
      tpu.enqueue_dma source(%dma_start3A_33 : memref<512xi32, #tpu.memory_space<hbm>>) target(%dma_start3A_32 : memref<512xi32, #tpu.memory_space<vmem>>) target_semaphore(%run_scoped3A : memref<!tpu.dma_semaphore, #tpu.memory_space<semaphore_mem>>)
      %dma_wait3A = arith.constant 2048 : i32
      %dma_wait3A_34 = tpu.memref_slice %arg7[%dma_wait3A] : memref<5120xi32, #tpu.memory_space<vmem>> -> memref<512xi32, #tpu.memory_space<vmem>>
      %dma_wait3A_35 = tpu.memref_slice %arg3[%add3A_14] : memref<163840xi32, #tpu.memory_space<hbm>> -> memref<512xi32, #tpu.memory_space<hbm>>
      %dma_wait3A_36 = arith.constant 2048 : i32
      %dma_wait3A_37 = tpu.memref_slice %arg7[%dma_wait3A_36] : memref<5120xi32, #tpu.memory_space<vmem>> -> memref<512xi32, #tpu.memory_space<vmem>>
      %dma_wait3A_38 = tpu.memref_slice %arg3[%add3A_14] : memref<163840xi32, #tpu.memory_space<hbm>> -> memref<512xi32, #tpu.memory_space<hbm>>
      tpu.wait_dma2 semaphore(%run_scoped3A : memref<!tpu.dma_semaphore, #tpu.memory_space<semaphore_mem>>) src(%dma_wait3A_38 : memref<512xi32, #tpu.memory_space<hbm>>) dst(%dma_wait3A_37 : memref<512xi32, #tpu.memory_space<vmem>>)
      tpu.yield
    }) : () -> ()
    %add3A_15 = arith.constant 81920 : i32
    %add3A_16 = arith.addi %add3A_15, %mul3A_2 : i32
    "tpu.region"() ({
      %run_scoped3A = tpu.sem_alloc : memref<!tpu.dma_semaphore, #tpu.memory_space<semaphore_mem>>
      %dma_start3A = arith.constant 2560 : i32
      %dma_start3A_29 = tpu.memref_slice %arg7[%dma_start3A] : memref<5120xi32, #tpu.memory_space<vmem>> -> memref<512xi32, #tpu.memory_space<vmem>>
      %dma_start3A_30 = tpu.memref_slice %arg3[%add3A_16] : memref<163840xi32, #tpu.memory_space<hbm>> -> memref<512xi32, #tpu.memory_space<hbm>>
      %dma_start3A_31 = arith.constant 2560 : i32
      %dma_start3A_32 = tpu.memref_slice %arg7[%dma_start3A_31] : memref<5120xi32, #tpu.memory_space<vmem>> -> memref<512xi32, #tpu.memory_space<vmem>>
      %dma_start3A_33 = tpu.memref_slice %arg3[%add3A_16] : memref<163840xi32, #tpu.memory_space<hbm>> -> memref<512xi32, #tpu.memory_space<hbm>>
      tpu.enqueue_dma source(%dma_start3A_33 : memref<512xi32, #tpu.memory_space<hbm>>) target(%dma_start3A_32 : memref<512xi32, #tpu.memory_space<vmem>>) target_semaphore(%run_scoped3A : memref<!tpu.dma_semaphore, #tpu.memory_space<semaphore_mem>>)
      %dma_wait3A = arith.constant 2560 : i32
      %dma_wait3A_34 = tpu.memref_slice %arg7[%dma_wait3A] : memref<5120xi32, #tpu.memory_space<vmem>> -> memref<512xi32, #tpu.memory_space<vmem>>
      %dma_wait3A_35 = tpu.memref_slice %arg3[%add3A_16] : memref<163840xi32, #tpu.memory_space<hbm>> -> memref<512xi32, #tpu.memory_space<hbm>>
      %dma_wait3A_36 = arith.constant 2560 : i32
      %dma_wait3A_37 = tpu.memref_slice %arg7[%dma_wait3A_36] : memref<5120xi32, #tpu.memory_space<vmem>> -> memref<512xi32, #tpu.memory_space<vmem>>
      %dma_wait3A_38 = tpu.memref_slice %arg3[%add3A_16] : memref<163840xi32, #tpu.memory_space<hbm>> -> memref<512xi32, #tpu.memory_space<hbm>>
      tpu.wait_dma2 semaphore(%run_scoped3A : memref<!tpu.dma_semaphore, #tpu.memory_space<semaphore_mem>>) src(%dma_wait3A_38 : memref<512xi32, #tpu.memory_space<hbm>>) dst(%dma_wait3A_37 : memref<512xi32, #tpu.memory_space<vmem>>)
      tpu.yield
    }) : () -> ()
    %add3A_17 = arith.constant 98304 : i32
    %add3A_18 = arith.addi %add3A_17, %mul3A_2 : i32
    "tpu.region"() ({
      %run_scoped3A = tpu.sem_alloc : memref<!tpu.dma_semaphore, #tpu.memory_space<semaphore_mem>>
      %dma_start3A = arith.constant 3072 : i32
      %dma_start3A_29 = tpu.memref_slice %arg7[%dma_start3A] : memref<5120xi32, #tpu.memory_space<vmem>> -> memref<512xi32, #tpu.memory_space<vmem>>
      %dma_start3A_30 = tpu.memref_slice %arg3[%add3A_18] : memref<163840xi32, #tpu.memory_space<hbm>> -> memref<512xi32, #tpu.memory_space<hbm>>
      %dma_start3A_31 = arith.constant 3072 : i32
      %dma_start3A_32 = tpu.memref_slice %arg7[%dma_start3A_31] : memref<5120xi32, #tpu.memory_space<vmem>> -> memref<512xi32, #tpu.memory_space<vmem>>
      %dma_start3A_33 = tpu.memref_slice %arg3[%add3A_18] : memref<163840xi32, #tpu.memory_space<hbm>> -> memref<512xi32, #tpu.memory_space<hbm>>
      tpu.enqueue_dma source(%dma_start3A_33 : memref<512xi32, #tpu.memory_space<hbm>>) target(%dma_start3A_32 : memref<512xi32, #tpu.memory_space<vmem>>) target_semaphore(%run_scoped3A : memref<!tpu.dma_semaphore, #tpu.memory_space<semaphore_mem>>)
      %dma_wait3A = arith.constant 3072 : i32
      %dma_wait3A_34 = tpu.memref_slice %arg7[%dma_wait3A] : memref<5120xi32, #tpu.memory_space<vmem>> -> memref<512xi32, #tpu.memory_space<vmem>>
      %dma_wait3A_35 = tpu.memref_slice %arg3[%add3A_18] : memref<163840xi32, #tpu.memory_space<hbm>> -> memref<512xi32, #tpu.memory_space<hbm>>
      %dma_wait3A_36 = arith.constant 3072 : i32
      %dma_wait3A_37 = tpu.memref_slice %arg7[%dma_wait3A_36] : memref<5120xi32, #tpu.memory_space<vmem>> -> memref<512xi32, #tpu.memory_space<vmem>>
      %dma_wait3A_38 = tpu.memref_slice %arg3[%add3A_18] : memref<163840xi32, #tpu.memory_space<hbm>> -> memref<512xi32, #tpu.memory_space<hbm>>
      tpu.wait_dma2 semaphore(%run_scoped3A : memref<!tpu.dma_semaphore, #tpu.memory_space<semaphore_mem>>) src(%dma_wait3A_38 : memref<512xi32, #tpu.memory_space<hbm>>) dst(%dma_wait3A_37 : memref<512xi32, #tpu.memory_space<vmem>>)
      tpu.yield
    }) : () -> ()
    %add3A_19 = arith.constant 114688 : i32
    %add3A_20 = arith.addi %add3A_19, %mul3A_2 : i32
    "tpu.region"() ({
      %run_scoped3A = tpu.sem_alloc : memref<!tpu.dma_semaphore, #tpu.memory_space<semaphore_mem>>
      %dma_start3A = arith.constant 3584 : i32
      %dma_start3A_29 = tpu.memref_slice %arg7[%dma_start3A] : memref<5120xi32, #tpu.memory_space<vmem>> -> memref<512xi32, #tpu.memory_space<vmem>>
      %dma_start3A_30 = tpu.memref_slice %arg3[%add3A_20] : memref<163840xi32, #tpu.memory_space<hbm>> -> memref<512xi32, #tpu.memory_space<hbm>>
      %dma_start3A_31 = arith.constant 3584 : i32
      %dma_start3A_32 = tpu.memref_slice %arg7[%dma_start3A_31] : memref<5120xi32, #tpu.memory_space<vmem>> -> memref<512xi32, #tpu.memory_space<vmem>>
      %dma_start3A_33 = tpu.memref_slice %arg3[%add3A_20] : memref<163840xi32, #tpu.memory_space<hbm>> -> memref<512xi32, #tpu.memory_space<hbm>>
      tpu.enqueue_dma source(%dma_start3A_33 : memref<512xi32, #tpu.memory_space<hbm>>) target(%dma_start3A_32 : memref<512xi32, #tpu.memory_space<vmem>>) target_semaphore(%run_scoped3A : memref<!tpu.dma_semaphore, #tpu.memory_space<semaphore_mem>>)
      %dma_wait3A = arith.constant 3584 : i32
      %dma_wait3A_34 = tpu.memref_slice %arg7[%dma_wait3A] : memref<5120xi32, #tpu.memory_space<vmem>> -> memref<512xi32, #tpu.memory_space<vmem>>
      %dma_wait3A_35 = tpu.memref_slice %arg3[%add3A_20] : memref<163840xi32, #tpu.memory_space<hbm>> -> memref<512xi32, #tpu.memory_space<hbm>>
      %dma_wait3A_36 = arith.constant 3584 : i32
      %dma_wait3A_37 = tpu.memref_slice %arg7[%dma_wait3A_36] : memref<5120xi32, #tpu.memory_space<vmem>> -> memref<512xi32, #tpu.memory_space<vmem>>
      %dma_wait3A_38 = tpu.memref_slice %arg3[%add3A_20] : memref<163840xi32, #tpu.memory_space<hbm>> -> memref<512xi32, #tpu.memory_space<hbm>>
      tpu.wait_dma2 semaphore(%run_scoped3A : memref<!tpu.dma_semaphore, #tpu.memory_space<semaphore_mem>>) src(%dma_wait3A_38 : memref<512xi32, #tpu.memory_space<hbm>>) dst(%dma_wait3A_37 : memref<512xi32, #tpu.memory_space<vmem>>)
      tpu.yield
    }) : () -> ()
    %add3A_21 = arith.constant 131072 : i32
    %add3A_22 = arith.addi %add3A_21, %mul3A_2 : i32
    "tpu.region"() ({
      %run_scoped3A = tpu.sem_alloc : memref<!tpu.dma_semaphore, #tpu.memory_space<semaphore_mem>>
      %dma_start3A = arith.constant 4096 : i32
      %dma_start3A_29 = tpu.memref_slice %arg7[%dma_start3A] : memref<5120xi32, #tpu.memory_space<vmem>> -> memref<512xi32, #tpu.memory_space<vmem>>
      %dma_start3A_30 = tpu.memref_slice %arg3[%add3A_22] : memref<163840xi32, #tpu.memory_space<hbm>> -> memref<512xi32, #tpu.memory_space<hbm>>
      %dma_start3A_31 = arith.constant 4096 : i32
      %dma_start3A_32 = tpu.memref_slice %arg7[%dma_start3A_31] : memref<5120xi32, #tpu.memory_space<vmem>> -> memref<512xi32, #tpu.memory_space<vmem>>
      %dma_start3A_33 = tpu.memref_slice %arg3[%add3A_22] : memref<163840xi32, #tpu.memory_space<hbm>> -> memref<512xi32, #tpu.memory_space<hbm>>
      tpu.enqueue_dma source(%dma_start3A_33 : memref<512xi32, #tpu.memory_space<hbm>>) target(%dma_start3A_32 : memref<512xi32, #tpu.memory_space<vmem>>) target_semaphore(%run_scoped3A : memref<!tpu.dma_semaphore, #tpu.memory_space<semaphore_mem>>)
      %dma_wait3A = arith.constant 4096 : i32
      %dma_wait3A_34 = tpu.memref_slice %arg7[%dma_wait3A] : memref<5120xi32, #tpu.memory_space<vmem>> -> memref<512xi32, #tpu.memory_space<vmem>>
      %dma_wait3A_35 = tpu.memref_slice %arg3[%add3A_22] : memref<163840xi32, #tpu.memory_space<hbm>> -> memref<512xi32, #tpu.memory_space<hbm>>
      %dma_wait3A_36 = arith.constant 4096 : i32
      %dma_wait3A_37 = tpu.memref_slice %arg7[%dma_wait3A_36] : memref<5120xi32, #tpu.memory_space<vmem>> -> memref<512xi32, #tpu.memory_space<vmem>>
      %dma_wait3A_38 = tpu.memref_slice %arg3[%add3A_22] : memref<163840xi32, #tpu.memory_space<hbm>> -> memref<512xi32, #tpu.memory_space<hbm>>
      tpu.wait_dma2 semaphore(%run_scoped3A : memref<!tpu.dma_semaphore, #tpu.memory_space<semaphore_mem>>) src(%dma_wait3A_38 : memref<512xi32, #tpu.memory_space<hbm>>) dst(%dma_wait3A_37 : memref<512xi32, #tpu.memory_space<vmem>>)
      tpu.yield
    }) : () -> ()
    %add3A_23 = arith.constant 147456 : i32
    %add3A_24 = arith.addi %add3A_23, %mul3A_2 : i32
    "tpu.region"() ({
      %run_scoped3A = tpu.sem_alloc : memref<!tpu.dma_semaphore, #tpu.memory_space<semaphore_mem>>
      %dma_start3A = arith.constant 4608 : i32
      %dma_start3A_29 = tpu.memref_slice %arg7[%dma_start3A] : memref<5120xi32, #tpu.memory_space<vmem>> -> memref<512xi32, #tpu.memory_space<vmem>>
      %dma_start3A_30 = tpu.memref_slice %arg3[%add3A_24] : memref<163840xi32, #tpu.memory_space<hbm>> -> memref<512xi32, #tpu.memory_space<hbm>>
      %dma_start3A_31 = arith.constant 4608 : i32
      %dma_start3A_32 = tpu.memref_slice %arg7[%dma_start3A_31] : memref<5120xi32, #tpu.memory_space<vmem>> -> memref<512xi32, #tpu.memory_space<vmem>>
      %dma_start3A_33 = tpu.memref_slice %arg3[%add3A_24] : memref<163840xi32, #tpu.memory_space<hbm>> -> memref<512xi32, #tpu.memory_space<hbm>>
      tpu.enqueue_dma source(%dma_start3A_33 : memref<512xi32, #tpu.memory_space<hbm>>) target(%dma_start3A_32 : memref<512xi32, #tpu.memory_space<vmem>>) target_semaphore(%run_scoped3A : memref<!tpu.dma_semaphore, #tpu.memory_space<semaphore_mem>>)
      %dma_wait3A = arith.constant 4608 : i32
      %dma_wait3A_34 = tpu.memref_slice %arg7[%dma_wait3A] : memref<5120xi32, #tpu.memory_space<vmem>> -> memref<512xi32, #tpu.memory_space<vmem>>
      %dma_wait3A_35 = tpu.memref_slice %arg3[%add3A_24] : memref<163840xi32, #tpu.memory_space<hbm>> -> memref<512xi32, #tpu.memory_space<hbm>>
      %dma_wait3A_36 = arith.constant 4608 : i32
      %dma_wait3A_37 = tpu.memref_slice %arg7[%dma_wait3A_36] : memref<5120xi32, #tpu.memory_space<vmem>> -> memref<512xi32, #tpu.memory_space<vmem>>
      %dma_wait3A_38 = tpu.memref_slice %arg3[%add3A_24] : memref<163840xi32, #tpu.memory_space<hbm>> -> memref<512xi32, #tpu.memory_space<hbm>>
      tpu.wait_dma2 semaphore(%run_scoped3A : memref<!tpu.dma_semaphore, #tpu.memory_space<semaphore_mem>>) src(%dma_wait3A_38 : memref<512xi32, #tpu.memory_space<hbm>>) dst(%dma_wait3A_37 : memref<512xi32, #tpu.memory_space<vmem>>)
      tpu.yield
    }) : () -> ()
    %scan3A = arith.constant 0 : i32
    %scan3A_25 = arith.constant 32 : i32
    %scan3A_26 = arith.addi %scan3A, %scan3A_25 : i32
    %scan3A_27 = arith.constant 1 : i32
    scf.for %scan3A_29 = %scan3A to %scan3A_26 step %scan3A_27  : i32 {
      %iota3A = tpu.iota {dimensions = array<i32: 0>} : vector<16xi32>
      %mul3A_30 = arith.constant 201 : i32
      %mul3A_31 = vector.broadcast %mul3A_30 : i32 to vector<16xi32>
      %mul3A_32 = arith.muli %iota3A, %mul3A_31 : vector<16xi32>
      %mul3A_33 = arith.constant 3216 : i32
      %mul3A_34 = arith.muli %scan3A_29, %mul3A_33 : i32
      %add3A_35 = vector.broadcast %mul3A_34 : i32 to vector<16xi32>
      %add3A_36 = arith.addi %mul3A_32, %add3A_35 : vector<16xi32>
      %mul3A_37 = arith.constant 16 : i32
      %mul3A_38 = arith.muli %scan3A_29, %mul3A_37 : i32
      %add3A_39 = arith.constant 0 : i32
      %add3A_40 = arith.addi %add3A_39, %mul3A_38 : i32
      %get3A = arith.index_cast %add3A_40 : i32 to index
      %get3A_41 = tpu.vector_load %arg7[%get3A] {strides = array<i32>} : memref<5120xi32, #tpu.memory_space<vmem>>, vector<16xi32>,
      %mul3A_42 = arith.constant 16 : i32
      %mul3A_43 = arith.muli %scan3A_29, %mul3A_42 : i32
      %add3A_44 = arith.constant 512 : i32
      %add3A_45 = arith.addi %add3A_44, %mul3A_43 : i32
      %get3A_46 = arith.index_cast %add3A_45 : i32 to index
      %get3A_47 = tpu.vector_load %arg7[%get3A_46] {strides = array<i32>} : memref<5120xi32, #tpu.memory_space<vmem>>, vector<16xi32>,
      %mul3A_48 = arith.constant 16 : i32
      %mul3A_49 = arith.muli %scan3A_29, %mul3A_48 : i32
      %add3A_50 = arith.constant 1024 : i32
      %add3A_51 = arith.addi %add3A_50, %mul3A_49 : i32
      %get3A_52 = arith.index_cast %add3A_51 : i32 to index
      %get3A_53 = tpu.vector_load %arg7[%get3A_52] {strides = array<i32>} : memref<5120xi32, #tpu.memory_space<vmem>>, vector<16xi32>,
      %mul3A_54 = arith.constant 16 : i32
      %mul3A_55 = arith.muli %scan3A_29, %mul3A_54 : i32
      %add3A_56 = arith.constant 1536 : i32
      %add3A_57 = arith.addi %add3A_56, %mul3A_55 : i32
      %get3A_58 = arith.index_cast %add3A_57 : i32 to index
      %get3A_59 = tpu.vector_load %arg7[%get3A_58] {strides = array<i32>} : memref<5120xi32, #tpu.memory_space<vmem>>, vector<16xi32>,
      %mul3A_60 = arith.constant 16 : i32
      %mul3A_61 = arith.muli %scan3A_29, %mul3A_60 : i32
      %add3A_62 = arith.constant 2048 : i32
      %add3A_63 = arith.addi %add3A_62, %mul3A_61 : i32
      %get3A_64 = arith.index_cast %add3A_63 : i32 to index
      %get3A_65 = tpu.vector_load %arg7[%get3A_64] {strides = array<i32>} : memref<5120xi32, #tpu.memory_space<vmem>>, vector<16xi32>,
      %mul3A_66 = arith.constant 16 : i32
      %mul3A_67 = arith.muli %scan3A_29, %mul3A_66 : i32
      %add3A_68 = arith.constant 2560 : i32
      %add3A_69 = arith.addi %add3A_68, %mul3A_67 : i32
      %get3A_70 = arith.index_cast %add3A_69 : i32 to index
      %get3A_71 = tpu.vector_load %arg7[%get3A_70] {strides = array<i32>} : memref<5120xi32, #tpu.memory_space<vmem>>, vector<16xi32>,
      %mul3A_72 = arith.constant 16 : i32
      %mul3A_73 = arith.muli %scan3A_29, %mul3A_72 : i32
      %add3A_74 = arith.constant 3072 : i32
      %add3A_75 = arith.addi %add3A_74, %mul3A_73 : i32
      %get3A_76 = arith.index_cast %add3A_75 : i32 to index
      %get3A_77 = tpu.vector_load %arg7[%get3A_76] {strides = array<i32>} : memref<5120xi32, #tpu.memory_space<vmem>>, vector<16xi32>,
      %mul3A_78 = arith.constant 16 : i32
      %mul3A_79 = arith.muli %scan3A_29, %mul3A_78 : i32
      %add3A_80 = arith.constant 3584 : i32
      %add3A_81 = arith.addi %add3A_80, %mul3A_79 : i32
      %get3A_82 = arith.index_cast %add3A_81 : i32 to index
      %get3A_83 = tpu.vector_load %arg7[%get3A_82] {strides = array<i32>} : memref<5120xi32, #tpu.memory_space<vmem>>, vector<16xi32>,
      %mul3A_84 = arith.constant 16 : i32
      %mul3A_85 = arith.muli %scan3A_29, %mul3A_84 : i32
      %add3A_86 = arith.constant 4096 : i32
      %add3A_87 = arith.addi %add3A_86, %mul3A_85 : i32
      %get3A_88 = arith.index_cast %add3A_87 : i32 to index
      %get3A_89 = tpu.vector_load %arg7[%get3A_88] {strides = array<i32>} : memref<5120xi32, #tpu.memory_space<vmem>>, vector<16xi32>,
      %mul3A_90 = arith.constant 16 : i32
      %mul3A_91 = arith.muli %scan3A_29, %mul3A_90 : i32
      %add3A_92 = arith.constant 4608 : i32
      %add3A_93 = arith.addi %add3A_92, %mul3A_91 : i32
      %get3A_94 = arith.index_cast %add3A_93 : i32 to index
      %get3A_95 = tpu.vector_load %arg7[%get3A_94] {strides = array<i32>} : memref<5120xi32, #tpu.memory_space<vmem>>, vector<16xi32>,
      %ne3A = arith.constant 0 : i32
      %ne3A_96 = vector.broadcast %ne3A : i32 to vector<16xi32>
      %ne3A_97 = arith.cmpi ne, %get3A_41, %ne3A_96 : vector<16xi32>
      %ne3A_98 = arith.constant 0 : i32
      %ne3A_99 = vector.broadcast %ne3A_98 : i32 to vector<16xi32>
      %ne3A_100 = arith.cmpi ne, %get3A_47, %ne3A_99 : vector<16xi32>
      %ne3A_101 = arith.constant 0 : i32
      %ne3A_102 = vector.broadcast %ne3A_101 : i32 to vector<16xi32>
      %ne3A_103 = arith.cmpi ne, %get3A_53, %ne3A_102 : vector<16xi32>
      %ne3A_104 = arith.constant 0 : i32
      %ne3A_105 = vector.broadcast %ne3A_104 : i32 to vector<16xi32>
      %ne3A_106 = arith.cmpi ne, %get3A_59, %ne3A_105 : vector<16xi32>
      %ne3A_107 = arith.constant 0 : i32
      %ne3A_108 = vector.broadcast %ne3A_107 : i32 to vector<16xi32>
      %ne3A_109 = arith.cmpi ne, %get3A_65, %ne3A_108 : vector<16xi32>
      %ne3A_110 = arith.constant 0 : i32
      %ne3A_111 = vector.broadcast %ne3A_110 : i32 to vector<16xi32>
      %ne3A_112 = arith.cmpi ne, %get3A_71, %ne3A_111 : vector<16xi32>
      %ne3A_113 = arith.constant 0 : i32
      %ne3A_114 = vector.broadcast %ne3A_113 : i32 to vector<16xi32>
      %ne3A_115 = arith.cmpi ne, %get3A_77, %ne3A_114 : vector<16xi32>
      %ne3A_116 = arith.constant 0 : i32
      %ne3A_117 = vector.broadcast %ne3A_116 : i32 to vector<16xi32>
      %ne3A_118 = arith.cmpi ne, %get3A_83, %ne3A_117 : vector<16xi32>
      %ne3A_119 = arith.constant 0 : i32
      %ne3A_120 = vector.broadcast %ne3A_119 : i32 to vector<16xi32>
      %ne3A_121 = arith.cmpi ne, %get3A_89, %ne3A_120 : vector<16xi32>
      %ne3A_122 = arith.constant 0 : i32
      %ne3A_123 = vector.broadcast %ne3A_122 : i32 to vector<16xi32>
      %ne3A_124 = arith.cmpi ne, %get3A_95, %ne3A_123 : vector<16xi32>
      %broadcast_in_dim3A = arith.constant 0.000000e+00 : f32
      %broadcast_in_dim3A_125 = vector.broadcast %broadcast_in_dim3A : f32 to vector<16xf32>
      %jit3A = arith.constant 0 : i32
      %broadcast_in_dim3A_126 = vector.broadcast %jit3A : i32 to vector<16xi32>
      %select_n3A = arith.select %ne3A_97, %get3A_41, %broadcast_in_dim3A_126 : vector<16xi1>, vector<16xi32>
      %add3A_127 = arith.addi %add3A_36, %select_n3A : vector<16xi32>
      %gather3A = tpu.vector_load_idx %arg6[%add3A_127] : memref<102912xf32, #tpu.memory_space<vmem>>[vector<16xi32>], vector<16xf32>,
      %jit3A_128 = arith.constant 0.000000e+00 : f32
      %broadcast_in_dim3A_129 = vector.broadcast %jit3A_128 : f32 to vector<16xf32>
      %select_n3A_130 = arith.select %ne3A_97, %gather3A, %broadcast_in_dim3A_129 : vector<16xi1>, vector<16xf32>
      %add3A_131 = arith.addf %broadcast_in_dim3A_125, %select_n3A_130 : vector<16xf32>
      %or3A = arith.ori %ne3A_97, %ne3A_100 : vector<16xi1>
      %and3A = arith.andi %ne3A_97, %ne3A_100 : vector<16xi1>
      %ne3A_132 = arith.cmpi ne, %get3A_41, %get3A_47 : vector<16xi32>
      %and3A_133 = arith.andi %and3A, %ne3A_132 : vector<16xi1>
      %jit3A_134 = arith.constant 0 : i32
      %broadcast_in_dim3A_135 = vector.broadcast %jit3A_134 : i32 to vector<16xi32>
      %select_n3A_136 = arith.select %and3A_133, %get3A_47, %broadcast_in_dim3A_135 : vector<16xi1>, vector<16xi32>
      %add3A_137 = arith.addi %add3A_36, %select_n3A_136 : vector<16xi32>
      %gather3A_138 = tpu.vector_load_idx %arg6[%add3A_137] : memref<102912xf32, #tpu.memory_space<vmem>>[vector<16xi32>], vector<16xf32>,
      %jit3A_139 = arith.constant 0.000000e+00 : f32
      %broadcast_in_dim3A_140 = vector.broadcast %jit3A_139 : f32 to vector<16xf32>
      %select_n3A_141 = arith.select %and3A_133, %gather3A_138, %broadcast_in_dim3A_140 : vector<16xi1>, vector<16xf32>
      %add3A_142 = arith.addf %add3A_131, %select_n3A_141 : vector<16xf32>
      %or3A_143 = arith.ori %or3A, %ne3A_103 : vector<16xi1>
      %and3A_144 = arith.andi %and3A, %ne3A_103 : vector<16xi1>
      %ne3A_145 = arith.cmpi ne, %get3A_41, %get3A_53 : vector<16xi32>
      %and3A_146 = arith.andi %and3A_144, %ne3A_145 : vector<16xi1>
      %ne3A_147 = arith.cmpi ne, %get3A_47, %get3A_53 : vector<16xi32>
      %and3A_148 = arith.andi %and3A_146, %ne3A_147 : vector<16xi1>
      %jit3A_149 = arith.constant 0 : i32
      %broadcast_in_dim3A_150 = vector.broadcast %jit3A_149 : i32 to vector<16xi32>
      %select_n3A_151 = arith.select %and3A_148, %get3A_53, %broadcast_in_dim3A_150 : vector<16xi1>, vector<16xi32>
      %add3A_152 = arith.addi %add3A_36, %select_n3A_151 : vector<16xi32>
      %gather3A_153 = tpu.vector_load_idx %arg6[%add3A_152] : memref<102912xf32, #tpu.memory_space<vmem>>[vector<16xi32>], vector<16xf32>,
      %jit3A_154 = arith.constant 0.000000e+00 : f32
      %broadcast_in_dim3A_155 = vector.broadcast %jit3A_154 : f32 to vector<16xf32>
      %select_n3A_156 = arith.select %and3A_148, %gather3A_153, %broadcast_in_dim3A_155 : vector<16xi1>, vector<16xf32>
      %add3A_157 = arith.addf %add3A_142, %select_n3A_156 : vector<16xf32>
      %or3A_158 = arith.ori %or3A_143, %ne3A_106 : vector<16xi1>
      %and3A_159 = arith.andi %and3A_144, %ne3A_106 : vector<16xi1>
      %ne3A_160 = arith.cmpi ne, %get3A_41, %get3A_59 : vector<16xi32>
      %and3A_161 = arith.andi %and3A_159, %ne3A_160 : vector<16xi1>
      %ne3A_162 = arith.cmpi ne, %get3A_47, %get3A_59 : vector<16xi32>
      %and3A_163 = arith.andi %and3A_161, %ne3A_162 : vector<16xi1>
      %ne3A_164 = arith.cmpi ne, %get3A_53, %get3A_59 : vector<16xi32>
      %and3A_165 = arith.andi %and3A_163, %ne3A_164 : vector<16xi1>
      %jit3A_166 = arith.constant 0 : i32
      %broadcast_in_dim3A_167 = vector.broadcast %jit3A_166 : i32 to vector<16xi32>
      %select_n3A_168 = arith.select %and3A_165, %get3A_59, %broadcast_in_dim3A_167 : vector<16xi1>, vector<16xi32>
      %add3A_169 = arith.addi %add3A_36, %select_n3A_168 : vector<16xi32>
      %gather3A_170 = tpu.vector_load_idx %arg6[%add3A_169] : memref<102912xf32, #tpu.memory_space<vmem>>[vector<16xi32>], vector<16xf32>,
      %jit3A_171 = arith.constant 0.000000e+00 : f32
      %broadcast_in_dim3A_172 = vector.broadcast %jit3A_171 : f32 to vector<16xf32>
      %select_n3A_173 = arith.select %and3A_165, %gather3A_170, %broadcast_in_dim3A_172 : vector<16xi1>, vector<16xf32>
      %add3A_174 = arith.addf %add3A_157, %select_n3A_173 : vector<16xf32>
      %or3A_175 = arith.ori %or3A_158, %ne3A_109 : vector<16xi1>
      %and3A_176 = arith.andi %and3A_159, %ne3A_109 : vector<16xi1>
      %ne3A_177 = arith.cmpi ne, %get3A_41, %get3A_65 : vector<16xi32>
      %and3A_178 = arith.andi %and3A_176, %ne3A_177 : vector<16xi1>
      %ne3A_179 = arith.cmpi ne, %get3A_47, %get3A_65 : vector<16xi32>
      %and3A_180 = arith.andi %and3A_178, %ne3A_179 : vector<16xi1>
      %ne3A_181 = arith.cmpi ne, %get3A_53, %get3A_65 : vector<16xi32>
      %and3A_182 = arith.andi %and3A_180, %ne3A_181 : vector<16xi1>
      %ne3A_183 = arith.cmpi ne, %get3A_59, %get3A_65 : vector<16xi32>
      %and3A_184 = arith.andi %and3A_182, %ne3A_183 : vector<16xi1>
      %jit3A_185 = arith.constant 0 : i32
      %broadcast_in_dim3A_186 = vector.broadcast %jit3A_185 : i32 to vector<16xi32>
      %select_n3A_187 = arith.select %and3A_184, %get3A_65, %broadcast_in_dim3A_186 : vector<16xi1>, vector<16xi32>
      %add3A_188 = arith.addi %add3A_36, %select_n3A_187 : vector<16xi32>
      %gather3A_189 = tpu.vector_load_idx %arg6[%add3A_188] : memref<102912xf32, #tpu.memory_space<vmem>>[vector<16xi32>], vector<16xf32>,
      %jit3A_190 = arith.constant 0.000000e+00 : f32
      %broadcast_in_dim3A_191 = vector.broadcast %jit3A_190 : f32 to vector<16xf32>
      %select_n3A_192 = arith.select %and3A_184, %gather3A_189, %broadcast_in_dim3A_191 : vector<16xi1>, vector<16xf32>
      %add3A_193 = arith.addf %add3A_174, %select_n3A_192 : vector<16xf32>
      %or3A_194 = arith.ori %or3A_175, %ne3A_112 : vector<16xi1>
      %and3A_195 = arith.andi %and3A_176, %ne3A_112 : vector<16xi1>
      %ne3A_196 = arith.cmpi ne, %get3A_41, %get3A_71 : vector<16xi32>
      %and3A_197 = arith.andi %and3A_195, %ne3A_196 : vector<16xi1>
      %ne3A_198 = arith.cmpi ne, %get3A_47, %get3A_71 : vector<16xi32>
      %and3A_199 = arith.andi %and3A_197, %ne3A_198 : vector<16xi1>
      %ne3A_200 = arith.cmpi ne, %get3A_53, %get3A_71 : vector<16xi32>
      %and3A_201 = arith.andi %and3A_199, %ne3A_200 : vector<16xi1>
      %ne3A_202 = arith.cmpi ne, %get3A_59, %get3A_71 : vector<16xi32>
      %and3A_203 = arith.andi %and3A_201, %ne3A_202 : vector<16xi1>
      %ne3A_204 = arith.cmpi ne, %get3A_65, %get3A_71 : vector<16xi32>
      %and3A_205 = arith.andi %and3A_203, %ne3A_204 : vector<16xi1>
      %jit3A_206 = arith.constant 0 : i32
      %broadcast_in_dim3A_207 = vector.broadcast %jit3A_206 : i32 to vector<16xi32>
      %select_n3A_208 = arith.select %and3A_205, %get3A_71, %broadcast_in_dim3A_207 : vector<16xi1>, vector<16xi32>
      %add3A_209 = arith.addi %add3A_36, %select_n3A_208 : vector<16xi32>
      %gather3A_210 = tpu.vector_load_idx %arg6[%add3A_209] : memref<102912xf32, #tpu.memory_space<vmem>>[vector<16xi32>], vector<16xf32>,
      %jit3A_211 = arith.constant 0.000000e+00 : f32
      %broadcast_in_dim3A_212 = vector.broadcast %jit3A_211 : f32 to vector<16xf32>
      %select_n3A_213 = arith.select %and3A_205, %gather3A_210, %broadcast_in_dim3A_212 : vector<16xi1>, vector<16xf32>
      %add3A_214 = arith.addf %add3A_193, %select_n3A_213 : vector<16xf32>
      %or3A_215 = arith.ori %or3A_194, %ne3A_115 : vector<16xi1>
      %and3A_216 = arith.andi %and3A_195, %ne3A_115 : vector<16xi1>
      %ne3A_217 = arith.cmpi ne, %get3A_41, %get3A_77 : vector<16xi32>
      %and3A_218 = arith.andi %and3A_216, %ne3A_217 : vector<16xi1>
      %ne3A_219 = arith.cmpi ne, %get3A_47, %get3A_77 : vector<16xi32>
      %and3A_220 = arith.andi %and3A_218, %ne3A_219 : vector<16xi1>
      %ne3A_221 = arith.cmpi ne, %get3A_53, %get3A_77 : vector<16xi32>
      %and3A_222 = arith.andi %and3A_220, %ne3A_221 : vector<16xi1>
      %ne3A_223 = arith.cmpi ne, %get3A_59, %get3A_77 : vector<16xi32>
      %and3A_224 = arith.andi %and3A_222, %ne3A_223 : vector<16xi1>
      %ne3A_225 = arith.cmpi ne, %get3A_65, %get3A_77 : vector<16xi32>
      %and3A_226 = arith.andi %and3A_224, %ne3A_225 : vector<16xi1>
      %ne3A_227 = arith.cmpi ne, %get3A_71, %get3A_77 : vector<16xi32>
      %and3A_228 = arith.andi %and3A_226, %ne3A_227 : vector<16xi1>
      %jit3A_229 = arith.constant 0 : i32
      %broadcast_in_dim3A_230 = vector.broadcast %jit3A_229 : i32 to vector<16xi32>
      %select_n3A_231 = arith.select %and3A_228, %get3A_77, %broadcast_in_dim3A_230 : vector<16xi1>, vector<16xi32>
      %add3A_232 = arith.addi %add3A_36, %select_n3A_231 : vector<16xi32>
      %gather3A_233 = tpu.vector_load_idx %arg6[%add3A_232] : memref<102912xf32, #tpu.memory_space<vmem>>[vector<16xi32>], vector<16xf32>,
      %jit3A_234 = arith.constant 0.000000e+00 : f32
      %broadcast_in_dim3A_235 = vector.broadcast %jit3A_234 : f32 to vector<16xf32>
      %select_n3A_236 = arith.select %and3A_228, %gather3A_233, %broadcast_in_dim3A_235 : vector<16xi1>, vector<16xf32>
      %add3A_237 = arith.addf %add3A_214, %select_n3A_236 : vector<16xf32>
      %or3A_238 = arith.ori %or3A_215, %ne3A_118 : vector<16xi1>
      %and3A_239 = arith.andi %and3A_216, %ne3A_118 : vector<16xi1>
      %ne3A_240 = arith.cmpi ne, %get3A_41, %get3A_83 : vector<16xi32>
      %and3A_241 = arith.andi %and3A_239, %ne3A_240 : vector<16xi1>
      %ne3A_242 = arith.cmpi ne, %get3A_47, %get3A_83 : vector<16xi32>
      %and3A_243 = arith.andi %and3A_241, %ne3A_242 : vector<16xi1>
      %ne3A_244 = arith.cmpi ne, %get3A_53, %get3A_83 : vector<16xi32>
      %and3A_245 = arith.andi %and3A_243, %ne3A_244 : vector<16xi1>
      %ne3A_246 = arith.cmpi ne, %get3A_59, %get3A_83 : vector<16xi32>
      %and3A_247 = arith.andi %and3A_245, %ne3A_246 : vector<16xi1>
      %ne3A_248 = arith.cmpi ne, %get3A_65, %get3A_83 : vector<16xi32>
      %and3A_249 = arith.andi %and3A_247, %ne3A_248 : vector<16xi1>
      %ne3A_250 = arith.cmpi ne, %get3A_71, %get3A_83 : vector<16xi32>
      %and3A_251 = arith.andi %and3A_249, %ne3A_250 : vector<16xi1>
      %ne3A_252 = arith.cmpi ne, %get3A_77, %get3A_83 : vector<16xi32>
      %and3A_253 = arith.andi %and3A_251, %ne3A_252 : vector<16xi1>
      %jit3A_254 = arith.constant 0 : i32
      %broadcast_in_dim3A_255 = vector.broadcast %jit3A_254 : i32 to vector<16xi32>
      %select_n3A_256 = arith.select %and3A_253, %get3A_83, %broadcast_in_dim3A_255 : vector<16xi1>, vector<16xi32>
      %add3A_257 = arith.addi %add3A_36, %select_n3A_256 : vector<16xi32>
      %gather3A_258 = tpu.vector_load_idx %arg6[%add3A_257] : memref<102912xf32, #tpu.memory_space<vmem>>[vector<16xi32>], vector<16xf32>,
      %jit3A_259 = arith.constant 0.000000e+00 : f32
      %broadcast_in_dim3A_260 = vector.broadcast %jit3A_259 : f32 to vector<16xf32>
      %select_n3A_261 = arith.select %and3A_253, %gather3A_258, %broadcast_in_dim3A_260 : vector<16xi1>, vector<16xf32>
      %add3A_262 = arith.addf %add3A_237, %select_n3A_261 : vector<16xf32>
      %or3A_263 = arith.ori %or3A_238, %ne3A_121 : vector<16xi1>
      %and3A_264 = arith.andi %and3A_239, %ne3A_121 : vector<16xi1>
      %ne3A_265 = arith.cmpi ne, %get3A_41, %get3A_89 : vector<16xi32>
      %and3A_266 = arith.andi %and3A_264, %ne3A_265 : vector<16xi1>
      %ne3A_267 = arith.cmpi ne, %get3A_47, %get3A_89 : vector<16xi32>
      %and3A_268 = arith.andi %and3A_266, %ne3A_267 : vector<16xi1>
      %ne3A_269 = arith.cmpi ne, %get3A_53, %get3A_89 : vector<16xi32>
      %and3A_270 = arith.andi %and3A_268, %ne3A_269 : vector<16xi1>
      %ne3A_271 = arith.cmpi ne, %get3A_59, %get3A_89 : vector<16xi32>
      %and3A_272 = arith.andi %and3A_270, %ne3A_271 : vector<16xi1>
      %ne3A_273 = arith.cmpi ne, %get3A_65, %get3A_89 : vector<16xi32>
      %and3A_274 = arith.andi %and3A_272, %ne3A_273 : vector<16xi1>
      %ne3A_275 = arith.cmpi ne, %get3A_71, %get3A_89 : vector<16xi32>
      %and3A_276 = arith.andi %and3A_274, %ne3A_275 : vector<16xi1>
      %ne3A_277 = arith.cmpi ne, %get3A_77, %get3A_89 : vector<16xi32>
      %and3A_278 = arith.andi %and3A_276, %ne3A_277 : vector<16xi1>
      %ne3A_279 = arith.cmpi ne, %get3A_83, %get3A_89 : vector<16xi32>
      %and3A_280 = arith.andi %and3A_278, %ne3A_279 : vector<16xi1>
      %jit3A_281 = arith.constant 0 : i32
      %broadcast_in_dim3A_282 = vector.broadcast %jit3A_281 : i32 to vector<16xi32>
      %select_n3A_283 = arith.select %and3A_280, %get3A_89, %broadcast_in_dim3A_282 : vector<16xi1>, vector<16xi32>
      %add3A_284 = arith.addi %add3A_36, %select_n3A_283 : vector<16xi32>
      %gather3A_285 = tpu.vector_load_idx %arg6[%add3A_284] : memref<102912xf32, #tpu.memory_space<vmem>>[vector<16xi32>], vector<16xf32>,
      %jit3A_286 = arith.constant 0.000000e+00 : f32
      %broadcast_in_dim3A_287 = vector.broadcast %jit3A_286 : f32 to vector<16xf32>
      %select_n3A_288 = arith.select %and3A_280, %gather3A_285, %broadcast_in_dim3A_287 : vector<16xi1>, vector<16xf32>
      %add3A_289 = arith.addf %add3A_262, %select_n3A_288 : vector<16xf32>
      %or3A_290 = arith.ori %or3A_263, %ne3A_124 : vector<16xi1>
      %and3A_291 = arith.andi %and3A_264, %ne3A_124 : vector<16xi1>
      %ne3A_292 = arith.cmpi ne, %get3A_41, %get3A_95 : vector<16xi32>
      %and3A_293 = arith.andi %and3A_291, %ne3A_292 : vector<16xi1>
      %ne3A_294 = arith.cmpi ne, %get3A_47, %get3A_95 : vector<16xi32>
      %and3A_295 = arith.andi %and3A_293, %ne3A_294 : vector<16xi1>
      %ne3A_296 = arith.cmpi ne, %get3A_53, %get3A_95 : vector<16xi32>
      %and3A_297 = arith.andi %and3A_295, %ne3A_296 : vector<16xi1>
      %ne3A_298 = arith.cmpi ne, %get3A_59, %get3A_95 : vector<16xi32>
      %and3A_299 = arith.andi %and3A_297, %ne3A_298 : vector<16xi1>
      %ne3A_300 = arith.cmpi ne, %get3A_65, %get3A_95 : vector<16xi32>
      %and3A_301 = arith.andi %and3A_299, %ne3A_300 : vector<16xi1>
      %ne3A_302 = arith.cmpi ne, %get3A_71, %get3A_95 : vector<16xi32>
      %and3A_303 = arith.andi %and3A_301, %ne3A_302 : vector<16xi1>
      %ne3A_304 = arith.cmpi ne, %get3A_77, %get3A_95 : vector<16xi32>
      %and3A_305 = arith.andi %and3A_303, %ne3A_304 : vector<16xi1>
      %ne3A_306 = arith.cmpi ne, %get3A_83, %get3A_95 : vector<16xi32>
      %and3A_307 = arith.andi %and3A_305, %ne3A_306 : vector<16xi1>
      %ne3A_308 = arith.cmpi ne, %get3A_89, %get3A_95 : vector<16xi32>
      %and3A_309 = arith.andi %and3A_307, %ne3A_308 : vector<16xi1>
      %jit3A_310 = arith.constant 0 : i32
      %broadcast_in_dim3A_311 = vector.broadcast %jit3A_310 : i32 to vector<16xi32>
      %select_n3A_312 = arith.select %and3A_309, %get3A_95, %broadcast_in_dim3A_311 : vector<16xi1>, vector<16xi32>
      %add3A_313 = arith.addi %add3A_36, %select_n3A_312 : vector<16xi32>
      %gather3A_314 = tpu.vector_load_idx %arg6[%add3A_313] : memref<102912xf32, #tpu.memory_space<vmem>>[vector<16xi32>], vector<16xf32>,
      %jit3A_315 = arith.constant 0.000000e+00 : f32
      %broadcast_in_dim3A_316 = vector.broadcast %jit3A_315 : f32 to vector<16xf32>
      %select_n3A_317 = arith.select %and3A_309, %gather3A_314, %broadcast_in_dim3A_316 : vector<16xi1>, vector<16xf32>
      %add3A_318 = arith.addf %add3A_289, %select_n3A_317 : vector<16xf32>
      %mul3A_319 = arith.constant 16 : i32
      %mul3A_320 = arith.muli %scan3A_29, %mul3A_319 : i32
      %swap3A = arith.index_cast %mul3A_320 : i32 to index
      %swap3A_321 = tpu.vector_load %arg8[%swap3A] {strides = array<i32>} : memref<512xf32, #tpu.memory_space<vmem>>, vector<16xf32>,
      tpu.vector_store %arg8[%swap3A], %add3A_318 {strides = array<i32>} : memref<512xf32, #tpu.memory_space<vmem>>, vector<16xf32>,
      %jit3A_322 = arith.constant 1.000000e+00 : f32
      %jit3A_323 = arith.constant 0.000000e+00 : f32
      %broadcast_in_dim3A_324 = vector.broadcast %jit3A_322 : f32 to vector<16xf32>
      %broadcast_in_dim3A_325 = vector.broadcast %jit3A_323 : f32 to vector<16xf32>
      %select_n3A_326 = arith.select %or3A_290, %broadcast_in_dim3A_324, %broadcast_in_dim3A_325 : vector<16xi1>, vector<16xf32>
      %mul3A_327 = arith.constant 16 : i32
      %mul3A_328 = arith.muli %scan3A_29, %mul3A_327 : i32
      %swap3A_329 = arith.index_cast %mul3A_328 : i32 to index
      %swap3A_330 = tpu.vector_load %arg9[%swap3A_329] {strides = array<i32>} : memref<512xf32, #tpu.memory_space<vmem>>, vector<16xf32>,
      tpu.vector_store %arg9[%swap3A_329], %select_n3A_326 {strides = array<i32>} : memref<512xf32, #tpu.memory_space<vmem>>, vector<16xf32>,
    }
    %scan3A_28 = arith.constant 32 : i32
    "tpu.region"() ({
      %run_scoped3A = tpu.sem_alloc : memref<!tpu.dma_semaphore, #tpu.memory_space<semaphore_mem>>
      %dma_start3A = tpu.memref_slice %arg4[%mul3A_2] : memref<16384xf32, #tpu.memory_space<hbm>> -> memref<512xf32, #tpu.memory_space<hbm>>
      %dma_start3A_29 = tpu.memref_slice %arg4[%mul3A_2] : memref<16384xf32, #tpu.memory_space<hbm>> -> memref<512xf32, #tpu.memory_space<hbm>>
      tpu.enqueue_dma source(%arg8 : memref<512xf32, #tpu.memory_space<vmem>>) target(%dma_start3A_29 : memref<512xf32, #tpu.memory_space<hbm>>) target_semaphore(%run_scoped3A : memref<!tpu.dma_semaphore, #tpu.memory_space<semaphore_mem>>)
      %dma_wait3A = tpu.memref_slice %arg4[%mul3A_2] : memref<16384xf32, #tpu.memory_space<hbm>> -> memref<512xf32, #tpu.memory_space<hbm>>
      %dma_wait3A_30 = tpu.memref_slice %arg4[%mul3A_2] : memref<16384xf32, #tpu.memory_space<hbm>> -> memref<512xf32, #tpu.memory_space<hbm>>
      tpu.wait_dma2 semaphore(%run_scoped3A : memref<!tpu.dma_semaphore, #tpu.memory_space<semaphore_mem>>) src(%arg8 : memref<512xf32, #tpu.memory_space<vmem>>) dst(%dma_wait3A_30 : memref<512xf32, #tpu.memory_space<hbm>>)
      tpu.yield
    }) : () -> ()
    "tpu.region"() ({
      %run_scoped3A = tpu.sem_alloc : memref<!tpu.dma_semaphore, #tpu.memory_space<semaphore_mem>>
      %dma_start3A = tpu.memref_slice %arg5[%mul3A_2] : memref<16384xf32, #tpu.memory_space<hbm>> -> memref<512xf32, #tpu.memory_space<hbm>>
      %dma_start3A_29 = tpu.memref_slice %arg5[%mul3A_2] : memref<16384xf32, #tpu.memory_space<hbm>> -> memref<512xf32, #tpu.memory_space<hbm>>
      tpu.enqueue_dma source(%arg9 : memref<512xf32, #tpu.memory_space<vmem>>) target(%dma_start3A_29 : memref<512xf32, #tpu.memory_space<hbm>>) target_semaphore(%run_scoped3A : memref<!tpu.dma_semaphore, #tpu.memory_space<semaphore_mem>>)
      %dma_wait3A = tpu.memref_slice %arg5[%mul3A_2] : memref<16384xf32, #tpu.memory_space<hbm>> -> memref<512xf32, #tpu.memory_space<hbm>>
      %dma_wait3A_30 = tpu.memref_slice %arg5[%mul3A_2] : memref<16384xf32, #tpu.memory_space<hbm>> -> memref<512xf32, #tpu.memory_space<hbm>>
      tpu.wait_dma2 semaphore(%run_scoped3A : memref<!tpu.dma_semaphore, #tpu.memory_space<semaphore_mem>>) src(%arg9 : memref<512xf32, #tpu.memory_space<vmem>>) dst(%dma_wait3A_30 : memref<512xf32, #tpu.memory_space<hbm>>)
      tpu.yield
    }) : () -> ()
    return
  }
}

module attributes {stable_mosaic.version = 14 : i64} {
  func.func @_dense_kernel(%arg0: i32, %arg1: memref<4096x201xf32, #tpu.memory_space<vmem>>, %arg2: memref<4x4096xf32, #tpu.memory_space<vmem>>) attributes {dimension_semantics = [#tpu.dimension_semantics<arbitrary>], iteration_bounds = array<i64: 4>, scalar_prefetch = 0 : i64, scratch_operands = 0 : i64, tpu.core_type = #tpu.core_type<tc>, window_params = [{transform_indices = @transform_0, window_bounds = array<i64: 4096, 201>}, {pipeline_mode = #tpu.pipeline_mode<synchronous>, transform_indices = @transform_1, window_bounds = array<i64: 4, 4096>}]} {
    %get3A = arith.constant 0 : index
    %get3A_0 = arith.constant 0 : index
    %get3A_1 = vector.load %arg1[%get3A, %get3A_0] : memref<4096x201xf32, #tpu.memory_space<vmem>>, vector<4096x201xf32>
    %convert_element_type3A = arith.truncf %get3A_1 : vector<4096x201xf32> to vector<4096x201xbf16>
    %max3A = arith.constant 0.000000e+00 : bf16
    %max3A_2 = vector.broadcast %max3A : bf16 to vector<4096x201xbf16>
    %max3A_3 = arith.maximumf %convert_element_type3A, %max3A_2 : vector<4096x201xbf16>
    %abs3A = math.absf %convert_element_type3A : vector<4096x201xbf16>
    %neg3A = arith.constant 0.000000e+00 : bf16
    %neg3A_4 = vector.broadcast %neg3A : bf16 to vector<4096x201xbf16>
    %neg3A_5 = arith.subf %neg3A_4, %abs3A : vector<4096x201xbf16>
    %exp3A = math.exp %neg3A_5 : vector<4096x201xbf16>
    %log1p3A = math.log1p %exp3A : vector<4096x201xbf16>
    %add3A = arith.addf %max3A_3, %log1p3A : vector<4096x201xbf16>
    %convert_element_type3A_6 = arith.extf %add3A : vector<4096x201xbf16> to vector<4096x201xf32>
    %reduce_sum3A = arith.constant dense<0.000000e+00> : vector<4096xf32>
    %reduce_sum3A_7 = vector.multi_reduction <add>, %convert_element_type3A_6, %reduce_sum3A [1] : vector<4096x201xf32> to vector<4096xf32>
    %broadcast_in_dim3A = vector.shape_cast %reduce_sum3A_7 : vector<4096xf32> to vector<4096x1xf32>
    %convert_element_type3A_8 = arith.truncf %broadcast_in_dim3A : vector<4096x1xf32> to vector<4096x1xbf16>
    %convert_element_type3A_9 = arith.extf %convert_element_type3A_8 : vector<4096x1xbf16> to vector<4096x1xf32>
    %reshape3A = vector.shape_cast %convert_element_type3A_9 : vector<4096x1xf32> to vector<1x4096xf32>
    %swap3A = arith.index_cast %arg0 : i32 to index
    %swap3A_10 = arith.constant 0 : index
    %swap3A_11 = vector.load %arg2[%swap3A, %swap3A_10] : memref<4x4096xf32, #tpu.memory_space<vmem>>, vector<1x4096xf32>
    tpu.vector_store %arg2[%swap3A, %swap3A_10], %reshape3A {strides = array<i32>} : memref<4x4096xf32, #tpu.memory_space<vmem>>, vector<1x4096xf32>,
    return
  }
  func.func @transform_0(%arg0: i32) -> (i32, i32) {
    %c0_i32 = arith.constant 0 : i32
    %c0_i32_0 = arith.constant 0 : i32
    return %arg0, %c0_i32 : i32, i32
  }
  func.func @transform_1(%arg0: i32) -> (i32, i32) {
    %c0_i32 = arith.constant 0 : i32
    %c0_i32_0 = arith.constant 0 : i32
    %c0_i32_1 = arith.constant 0 : i32
    return %c0_i32, %c0_i32_0 : i32, i32
  }
}

module attributes {stable_mosaic.version = 14 : i64} {
  func.func @_combine_kernel(%arg0: memref<128x128xf32, #tpu.memory_space<vmem>>, %arg1: memref<128x128xf32, #tpu.memory_space<vmem>>, %arg2: memref<128x128xf32, #tpu.memory_space<vmem>>, %arg3: memref<128x128xi32, #tpu.memory_space<vmem>>, %arg4: memref<1x1xf32, #tpu.memory_space<vmem>>) attributes {dimension_semantics = [], scalar_prefetch = 0 : i64, scratch_operands = 0 : i64, tpu.core_type = #tpu.core_type<tc>} {
    %get3A = arith.constant 0 : index
    %get3A_0 = arith.constant 0 : index
    %get3A_1 = vector.load %arg0[%get3A, %get3A_0] : memref<128x128xf32, #tpu.memory_space<vmem>>, vector<128x128xf32>
    %get3A_2 = arith.constant 0 : index
    %get3A_3 = arith.constant 0 : index
    %get3A_4 = vector.load %arg1[%get3A_2, %get3A_3] : memref<128x128xf32, #tpu.memory_space<vmem>>, vector<128x128xf32>
    %sub3A = arith.subf %get3A_1, %get3A_4 : vector<128x128xf32>
    %get3A_5 = arith.constant 0 : index
    %get3A_6 = arith.constant 0 : index
    %get3A_7 = vector.load %arg2[%get3A_5, %get3A_6] : memref<128x128xf32, #tpu.memory_space<vmem>>, vector<128x128xf32>
    %sub3A_8 = arith.constant 1.000000e+00 : f32
    %sub3A_9 = vector.broadcast %sub3A_8 : f32 to vector<128x128xf32>
    %sub3A_10 = arith.subf %sub3A_9, %get3A_7 : vector<128x128xf32>
    %get3A_11 = arith.constant 0 : index
    %get3A_12 = arith.constant 0 : index
    %get3A_13 = vector.load %arg3[%get3A_11, %get3A_12] : memref<128x128xi32, #tpu.memory_space<vmem>>, vector<128x128xi32>
    %reduce_sum3A = vector.shape_cast %get3A_7 : vector<128x128xf32> to vector<1x128x128xf32>
    %reduce_sum3A_14 = arith.constant dense<0.000000e+00> : vector<1xf32>
    %reduce_sum3A_15 = vector.multi_reduction <add>, %reduce_sum3A, %reduce_sum3A_14 [1, 2] : vector<1x128x128xf32> to vector<1xf32>
    %reduce_sum3A_16 = vector.shape_cast %reduce_sum3A_15 : vector<1xf32> to vector<1x1x1xf32>
    %reduce_sum3A_17 = vector.extract %reduce_sum3A_16[0, 0, 0] : f32 from vector<1x1x1xf32>
    %sub3A_18 = arith.constant 1.638400e+04 : f32
    %sub3A_19 = arith.subf %sub3A_18, %reduce_sum3A_17 : f32
    %gt3A = arith.constant 0.000000e+00 : f32
    %gt3A_20 = arith.cmpf ogt, %reduce_sum3A_17, %gt3A : f32
    %mul3A = arith.constant 5.000000e+00 : f32
    %mul3A_21 = arith.mulf %reduce_sum3A_17, %mul3A : f32
    %min3A = arith.minimumf %sub3A_19, %mul3A_21 : f32
    %min3A_22 = arith.constant 1.000000e+00 : f32
    %min3A_23 = arith.minimumf %min3A_22, %sub3A_19 : f32
    %select_n3A = arith.select %gt3A_20, %min3A, %min3A_23 : f32
    %scan3A = arith.constant 0 : i32
    %scan3A_24 = arith.constant 16384 : i32
    %scan3A_25 = arith.constant 0 : i32
    %scan3A_26 = arith.constant 15 : i32
    %scan3A_27 = arith.addi %scan3A_25, %scan3A_26 : i32
    %scan3A_28 = arith.constant 1 : i32
    %scan3A_29:2 = scf.for %scan3A_46 = %scan3A_25 to %scan3A_27 step %scan3A_28 iter_args(%scan3A_47 = %scan3A, %scan3A_48 = %scan3A_24) -> (i32, i32)  : i32 {
      %add3A_49 = arith.addi %scan3A_47, %scan3A_48 : i32
      %jit3A = arith.constant 2 : i32
      %div3A_50 = arith.divsi %add3A_49, %jit3A : i32
      %sign3A = arith.constant 0 : i32
      %sign3A_51 = arith.cmpi sgt, %add3A_49, %sign3A : i32
      %sign3A_52 = arith.extui %sign3A_51 : i1 to i32
      %sign3A_53 = arith.constant 0 : i32
      %sign3A_54 = arith.cmpi slt, %add3A_49, %sign3A_53 : i32
      %sign3A_55 = arith.extui %sign3A_54 : i1 to i32
      %sign3A_56 = arith.subi %sign3A_52, %sign3A_55 : i32
      %sign3A_57 = arith.constant 0 : i32
      %sign3A_58 = arith.cmpi sgt, %jit3A, %sign3A_57 : i32
      %sign3A_59 = arith.extui %sign3A_58 : i1 to i32
      %sign3A_60 = arith.constant 0 : i32
      %sign3A_61 = arith.cmpi slt, %jit3A, %sign3A_60 : i32
      %sign3A_62 = arith.extui %sign3A_61 : i1 to i32
      %sign3A_63 = arith.subi %sign3A_59, %sign3A_62 : i32
      %ne3A = arith.cmpi ne, %sign3A_56, %sign3A_63 : i32
      %rem3A = arith.remsi %add3A_49, %jit3A : i32
      %ne3A_64 = arith.constant 0 : i32
      %ne3A_65 = arith.cmpi ne, %rem3A, %ne3A_64 : i32
      %and3A = arith.andi %ne3A, %ne3A_65 : i1
      %sub3A_66 = arith.constant 1 : i32
      %sub3A_67 = arith.subi %div3A_50, %sub3A_66 : i32
      %select_n3A_68 = arith.select %and3A, %sub3A_67, %div3A_50 : i32
      %lt3A_69 = vector.broadcast %select_n3A_68 : i32 to vector<128x128xi32>
      %lt3A_70 = arith.cmpi slt, %get3A_13, %lt3A_69 : vector<128x128xi32>
      %convert_element_type3A_71 = arith.extui %lt3A_70 : vector<128x128xi1> to vector<128x128xi32>
      %convert_element_type3A_72 = arith.sitofp %convert_element_type3A_71 : vector<128x128xi32> to vector<128x128xf32>
      %mul3A_73 = arith.mulf %sub3A_10, %convert_element_type3A_72 : vector<128x128xf32>
      %reduce_sum3A_74 = vector.shape_cast %mul3A_73 : vector<128x128xf32> to vector<1x128x128xf32>
      %reduce_sum3A_75 = arith.constant dense<0.000000e+00> : vector<1xf32>
      %reduce_sum3A_76 = vector.multi_reduction <add>, %reduce_sum3A_74, %reduce_sum3A_75 [1, 2] : vector<1x128x128xf32> to vector<1xf32>
      %reduce_sum3A_77 = vector.shape_cast %reduce_sum3A_76 : vector<1xf32> to vector<1x1x1xf32>
      %reduce_sum3A_78 = vector.extract %reduce_sum3A_77[0, 0, 0] : f32 from vector<1x1x1xf32>
      %ge3A = arith.cmpf oge, %reduce_sum3A_78, %select_n3A : f32
      %select_n3A_79 = arith.select %ge3A, %scan3A_47, %select_n3A_68 : i32
      %select_n3A_80 = arith.select %ge3A, %select_n3A_68, %scan3A_48 : i32
      scf.yield %select_n3A_79, %select_n3A_80 : i32, i32
    }
    %lt3A = vector.broadcast %scan3A_29#1 : i32 to vector<128x128xi32>
    %lt3A_30 = arith.cmpi slt, %get3A_13, %lt3A : vector<128x128xi32>
    %convert_element_type3A = arith.extui %lt3A_30 : vector<128x128xi1> to vector<128x128xi32>
    %convert_element_type3A_31 = arith.sitofp %convert_element_type3A : vector<128x128xi32> to vector<128x128xf32>
    %mul3A_32 = arith.mulf %sub3A_10, %convert_element_type3A_31 : vector<128x128xf32>
    %add3A = arith.addf %get3A_7, %mul3A_32 : vector<128x128xf32>
    %mul3A_33 = arith.mulf %sub3A, %add3A : vector<128x128xf32>
    %reduce_sum3A_34 = vector.shape_cast %mul3A_33 : vector<128x128xf32> to vector<1x128x128xf32>
    %reduce_sum3A_35 = arith.constant dense<0.000000e+00> : vector<1xf32>
    %reduce_sum3A_36 = vector.multi_reduction <add>, %reduce_sum3A_34, %reduce_sum3A_35 [1, 2] : vector<1x128x128xf32> to vector<1xf32>
    %reduce_sum3A_37 = vector.shape_cast %reduce_sum3A_36 : vector<1xf32> to vector<1x1x1xf32>
    %reduce_sum3A_38 = vector.extract %reduce_sum3A_37[0, 0, 0] : f32 from vector<1x1x1xf32>
    %add3A_39 = arith.addf %reduce_sum3A_17, %select_n3A : f32
    %mul3A_40 = arith.constant 2.010000e+02 : f32
    %mul3A_41 = arith.mulf %add3A_39, %mul3A_40 : f32
    %mul3A_42 = arith.constant 1.000000e-01 : f32
    %mul3A_43 = arith.mulf %mul3A_42, %reduce_sum3A_38 : f32
    %div3A = arith.divf %mul3A_43, %mul3A_41 : f32
    %reshape3A = vector.broadcast %div3A : f32 to vector<1x1xf32>
    %swap3A = arith.constant 0 : index
    %swap3A_44 = arith.constant 0 : index
    %swap3A_45 = vector.load %arg4[%swap3A, %swap3A_44] : memref<1x1xf32, #tpu.memory_space<vmem>>, vector<1x1xf32>
    tpu.vector_store %arg4[%swap3A, %swap3A_44], %reshape3A {strides = array<i32>} : memref<1x1xf32, #tpu.memory_space<vmem>>, vector<1x1xf32>,
    return
  }
}

</mosaic_0001>

<sc_bundles>
// kernel: _run.5.cloned.1.call-start
scs
__scs_entry_jumppad:
0x0: {  	(pc) =	sbr.rel $0x88, $3  }
0x1: {  	(tag) =	ssettag $0x0;
	lr =	simm.s32 $0x1  }
0x2: {  	[smem:$0x3F9E] =	sst lr;
	_ =	strace $0xD0000000  }
0x3: {  	_ = 	snop  }
0x4: {  	_ = 	snop  }
0x5: {  	_ = 	snop  }
0x6: {  	_ = 	snop  }
0x7: {  	_ = 	snop  }
__scs_overlays_trampoline_lowered:
0x8: {  	[smem:$0x3FAD] =	sst s0  }
0x9: {  	[smem:$0x3FAE] =	sst s1  }
0xa: {  	[smem:$0x3FAF] =	sst s2  }
0xb: {  	[smem:$0x3FB0] =	sst s3  }
0xc: {  	[smem:$0x3FB1] =	sst s4  }
0xd: {  	[smem:$0x3FB2] =	sst s5  }
0xe: {  	[smem:$0x3FB3] =	sst s6  }
0xf: {  	[smem:$0x3FB4] =	sst s7  }
0x10: {  	[smem:$0x3FB5] =	sst s8  }
0x11: {  	[smem:$0x3FB6] =	sst s9;
	s0 =	simm.s32 @!p0 $0x0  }
0x12: {  	s1 =	sld [smem:$0x3F9C];
	s0 =	simm.s32 @p0 $0x1  }
0x13: {  	[smem:$0x3FB7] =	sst s0;
	s0 =	simm.s32 @!p1 $0x0  }
0x14: {  	s2 =	sld [smem:$0x3F9B];
	s0 =	simm.s32 @p1 $0x1  }
0x15: {  	[smem:$0x3FB8] =	sst s0;
	s0 =	simm.s32 @!p2 $0x0  }
0x16: {  	s3 =	sld [smem:$0x3FDB];
	s0 =	simm.s32 @p2 $0x1  }
0x17: {  	s4 =	simm.s32 $0x1BF5;
	[smem:$0x3FBA] =	sst s0  }
0x18: {  	s0 =	sld [smem:$0x3F9D];
	_ =	swait.ge [sflag:s4], $0x0  }
0x19: {  	s7 =	sld [smem:$0x3F9E]  }
0x1a: {  	s8 =	sadd.s32 $0xFFFFE003, lr  }
0x1b: {  	s9 =	sadd.s32 $0xFFFFFEF7, lr;
	s5 =	simm.s32 $0xFFFFFFFF;
	p2 =	slt.u32 s8, $0xFFFFF086  }
0x1c: {  	p1 =	slt.u32 s9, $0xF7A;
	s5 =	simm.s32 @!p2 $0x0  }
0x1d: {  	s5 =	simm.s32 @p1 $0x1;
	p0 =	seq.s32 s7, s2  }
0x1e: {  	s7 =	smul.u32 @!p0 $0xF7A, s2;
	p2 =	seq.s32 @!p0 s5, $0x0  }
0x1f: {  	s9 =	smul.u32 $0xF7A, s1;
	s8 =	simm.s32 @!p0 $0x1BF5;
	p2 =	por !p2, p0  }
0x20: {  	[sflag:s8] =	ssyncset.s32 @!p0 $0xFFFFF086;
	s6 =	sadd.s32 @!p0 s3, s7;
	s7 =	simm.s32 @!p0 $0x108  }
0x21: {  	s3 =	sadd.s32 s3, s9;
	s6 =	sadd.s32 @!p0 $0x88, s6;
	s7 =	simm.s32 @p2 $0x1082  }
0x22: {  	[simem:s7], [sflag:s8] =	dma.local @!p0 [hbm:s6], $0xF7A  }
0x23: {  	s9 =	sor.u32 $0xD0000000, s2;
	s6 =	simm.s32 $0x108;
	_ =	swait.ge @!p0 [sflag:s8], $0x0  }
0x24: {  	s3 =	sadd.s32 $0x88, s3;
	s6 =	simm.s32 @!p1 $0x1082;
	[sflag:s4] =	ssyncset.s32 $0xFFFFF086  }
0x25: {  	[simem:s6], [sflag:s4] =	dma.local [hbm:s3], $0xF7A  }
0x26: {  	[smem:$0x3F9E] =	sst s1;
	(tag) =	ssettag s2;
	_ =	strace s9  }
0x27: {  	s1 =	sld [smem:$0x3FAE]  }
0x28: {  	s2 =	sld [smem:$0x3FAF]  }
0x29: {  	s4 =	sld [smem:$0x3FB1]  }
0x2a: {  	p0 =	seq.s32 s5, $0x0;
	s5 =	sld [smem:$0x3FB2]  }
0x2b: {  	s6 =	sld [smem:$0x3FB3]  }
0x2c: {  	s7 =	sld [smem:$0x3FB4]  }
0x2d: {  	s3 =	simm.s32 $0x108;
	s8 =	sld [smem:$0x3FB5]  }
0x2e: {  	s3 =	simm.s32 @!p0 $0x1082;
	s9 =	sld [smem:$0x3FB6]  }
0x2f: {  	lr =	sadd.s32 s0, s3;
	s0 =	sld [smem:$0x3FAD]  }
0x30: {  	s3 =	sld [smem:$0x3FB0]  }
0x31: {  	[smem:$0x3FB9] =	sst s10  }
0x32: {  	s10 =	sld [smem:$0x3FB7];
	_ =	sdelay $0x3  }
0x33: {  	p0 =	seq.s32 s10, $0x1;
	s10 =	sld [smem:$0x3FB9];
	_ =	sdelay $0x3  }
0x34: {  	[smem:$0x3FB9] =	sst s10  }
0x35: {  	s10 =	sld [smem:$0x3FB8];
	_ =	sdelay $0x3  }
0x36: {  	p1 =	seq.s32 s10, $0x1;
	s10 =	sld [smem:$0x3FB9];
	_ =	sdelay $0x3  }
0x37: {  	[smem:$0x3FB9] =	sst s10  }
0x38: {  	s10 =	sld [smem:$0x3FBA]  }
0x39: {  	_ = 	snop;
	(pc) =	sbr.ind lr, $3  }
0x3a: {  	_ = 	snop  }
0x3b: {  	_ = 	snop  }
0x3c: {  	p2 =	seq.s32 s10, $0x1;
	s10 =	sld [smem:$0x3FB9]  }
0x3d: {  	_ =	shalt  }
0x3e: {  	_ =	shalt  }
0x3f: {  	_ =	shalt  }
0x40: {  	_ =	shalt  }
0x41: {  	_ =	shalt  }
0x42: {  	_ =	shalt  }
0x43: {  	_ =	shalt  }
0x44: {  	_ =	shalt  }
0x45: {  	_ =	shalt  }
0x46: {  	_ =	shalt  }
0x47: {  	_ =	shalt  }
0x48: {  	_ =	shalt  }
0x49: {  	_ =	shalt  }
0x4a: {  	_ =	shalt  }
0x4b: {  	_ =	shalt  }
0x4c: {  	_ =	shalt  }
0x4d: {  	_ =	shalt  }
0x4e: {  	_ =	shalt  }
0x4f: {  	_ =	shalt  }
0x50: {  	_ =	shalt  }
0x51: {  	_ =	shalt  }
0x52: {  	_ =	shalt  }
0x53: {  	_ =	shalt  }
0x54: {  	_ =	shalt  }
0x55: {  	_ =	shalt  }
0x56: {  	_ =	shalt  }
0x57: {  	_ =	shalt  }
0x58: {  	_ =	shalt  }
0x59: {  	_ =	shalt  }
0x5a: {  	_ =	shalt  }
0x5b: {  	_ =	shalt  }
0x5c: {  	_ =	shalt  }
0x5d: {  	_ =	shalt  }
0x5e: {  	_ =	shalt  }
0x5f: {  	_ =	shalt  }
0x60: {  	_ =	shalt  }
0x61: {  	_ =	shalt  }
0x62: {  	_ =	shalt  }
0x63: {  	_ =	shalt  }
0x64: {  	_ =	shalt  }
0x65: {  	_ =	shalt  }
0x66: {  	_ =	shalt  }
0x67: {  	_ =	shalt  }
0x68: {  	_ =	shalt  }
0x69: {  	_ =	shalt  }
0x6a: {  	_ =	shalt  }
0x6b: {  	_ =	shalt  }
0x6c: {  	_ =	shalt  }
0x6d: {  	_ =	shalt  }
0x6e: {  	_ =	shalt  }
0x6f: {  	_ =	shalt  }
0x70: {  	_ =	shalt  }
0x71: {  	_ =	shalt  }
0x72: {  	_ =	shalt  }
0x73: {  	_ =	shalt  }
0x74: {  	_ =	shalt  }
0x75: {  	_ =	shalt  }
0x76: {  	_ =	shalt  }
0x77: {  	_ =	shalt  }
0x78: {  	_ =	shalt  }
0x79: {  	_ =	shalt  }
0x7a: {  	_ =	shalt  }
0x7b: {  	_ =	shalt  }
0x7c: {  	_ =	shalt  }
0x7d: {  	_ =	shalt  }
0x7e: {  	_ =	shalt  }
0x7f: {  	_ =	shalt  }
0x80: {  	_ =	shalt  }
0x81: {  	_ =	shalt  }
0x82: {  	_ =	shalt  }
0x83: {  	_ =	shalt  }
0x84: {  	_ =	shalt  }
0x85: {  	_ =	shalt  }
0x86: {  	_ =	shalt  }
0x87: {  	_ =	shalt  }
.Lfunc_end0:
.L_simem_size_0:
called_computation_lowered:
.L_overlay_start_0:
0x88: {  	s2 =	sld [smem:$0x3FD9]  }
0x89: {  	s3 =	sld [smem:$0x3FFE];
	_ =	sdelay $0x1  }
0x8a: {  	s1 =	srdreg.scid  }
0x8b: {  	s0 =	sand.u32 $0x1, s1  }
0x8c: {  	s16 =	sshll.u32 s0, $0xA;
	s2 =	sadd.s32 s3, s2  }
0x8d: {  	s2 =	sadd.s32 s2, s16  }
0x8e: {  	[smem:$0x3FC5] =	sst s2  }
0x8f: {  	_ = 	snop  }
0x90: {  	(tm) =	ssettm $0x1  }
0x91: {  	s17 =	sld [smem:$0x3FFB];
	_ =	sdelay $0x3  }
0x92: {  	_ =	strace s17  }
0x93: {  	s2 =	sld [smem:$0x3FFC];
	_ =	sdelay $0x3  }
0x94: {  	_ =	strace s2  }
0x95: {  	s2 =	sld [smem:$0x3FFD];
	_ =	sdelay $0x3  }
0x96: {  	_ =	strace s2  }
0x97: {  	_ =	strace $0x8FFFFFFF  }
0x98: {  	s18 =	sld [smem:$0x3FDB];
	_ =	sdelay $0x1  }
0x99: {  	s19 =	simm.s32 $_scs_section_size  }
0x9a: {  	s4 =	simm.s32 $_size__tile_overlayer_lowered;
	s5 =	simm.s32 $_tile_overlayer_lowered  }
0x9b: {  	s22 =	simm.s32 $0x1BFF;
	s21 =	sshll.u32 s5, $0x1;
	s2 =	sadd.s32 s19, s18  }
0x9c: {  	s6 =	simm.s32 $0x0;
	s20 =	sshll.u32 s4, $0x1;
	s4 =	sadd.s32 s21, s2  }
0x9d: {  	[timem:s6], [sflag:s22] =	dma.local [hbm:s4], s20  }
0x9e: {  	_ =	swait.ge [sflag:s22], s20  }
0x9f: {  	s3 =	ssub.s32 $0x0, s20;
	[sflag:s22] =	ssyncset.done $0x0  }
0xa0: {  	[sflag:s22] =	ssyncadd.s32 s3;
	_ =	sdelay $0x1  }
0xa1: {  	s23 =	simm.s32 $0x1B8B  }
0xa2: {  	_ =	swait.ge [sflag:s23], $0x1  }
0xa3: {  	[sflag:s23] =	ssyncset.done $0x0  }
0xa4: {  	s25 =	simm.s32 $0x1B8E;
	s24 =	sld [smem:$0x3FFE];
	[sflag:s23] =	ssyncadd.s32 $0xFFFFFFFF  }
0xa5: {  	s26 =	simm.s32 $execute0_lowered;
	[smem:$0x3FD2] =	sst s25  }
0xa6: {  	s4 =	sshll.u32 s26, $0x1;
	_ =	strace $0x80000046;
	[dreg:$0x1] =	wrdreg $0xFFFFFFFF  }
0xa7: {  	s28 =	simm.s32 $_size_execute0_lowered;
	s2 =	sadd.s32 s2, s4;
	[dreg:$0x0] =	wrdreg $0x0  }
0xa8: {  	s4 =	sshll.u32 s28, $0x1;
	[dreg:$0x2] =	wrdreg s2  }
0xa9: {  	[dreg:$0x3] =	wrdreg s4  }
0xaa: {  	[dreg:$0x4] =	wrdreg $0xC0  }
0xab: {  	_ =	task [dreg:s6], $0x5FFFF  }
0xac: {  	[dreg:$0x1] =	wrdreg $0xFFFFFFFF  }
0xad: {  	[dreg:$0x0] =	wrdreg $0x60  }
0xae: {  	[dreg:$0x2] =	wrdreg s24  }
0xaf: {  	[dreg:$0x3] =	wrdreg $0x9  }
0xb0: {  	_ =	task.clear_ibuf [dreg:s6], $0x4FFFF;
	_ =	strace $0x90000046  }
0xb1: {  	s29 =	simm.s32 $0x9;
	_ =	strace $0x80000048  }
0xb2: {  	_ =	swait.ge [sflag:s29], $0x1  }
0xb3: {  	[sflag:s29] =	ssyncadd.s32 $0xFFFFFFFF  }
0xb4: {  	_ =	strace $0x90000048  }
0xb5: {  	_ =	sfence  }
0xb6: {  	s30 =	sld [smem:$0x0];
	_ =	sdelay $0x2  }
0xb7: {  	s31 =	sshll.u32 s1, $0xD;
	s1 =	sshrl.u32 s1, $0x2  }
0xb8: {  	s3 =	sand.u32 $0x4000, s31;
	s1 =	sadd.s32 s1, s30  }
0xb9: {  	s0 =	sor.u32 s3, s0;
	s1 =	sshll.u32 s1, $0x11  }
0xba: {  	s0 =	sor.u32 s1, s0  }
0xbb: {  	s0 =	sadd.s32 $0x8F2B, s0  }
0xbc: {  	[sflag:s0] =	ssyncadd.remote.s32 $0x1  }
0xbd: {  	_ =	sfence.sel $0xFFFF  }
0xbe: {  	[dreg:$0x0] =	wrdreg $0xFFFFFFFF;
	(pc) =	sbr.abs _section_cstart, $3  }
0xbf: {  	[dreg:$0x1] =	wrdreg $0xFFFFFFFF  }
0xc0: {  	_ =	task.clear_ibuf [dreg:s6], $0x2FFFF;
	_ =	strace $0x9FFFFFFF  }
0xc1: {  	(tm) =	ssettm $0x7FFFFFFF  }
tec
execute0_lowered:
.L_overlay_start_1:
0x0: {  	(tag) =	ssettag $0x1  }
0x1: {  	s0 =	srdreg.scid  }
0x2: {  	s2 =	stileid.u32;
	s1 =	rddreg [dreg:$0x0];
	s17 =	simm.s32 $0x1  }
0x3: {  	s24 =	simm.s32 $0x1A000;
	s25 =	simm.s32 $0x1A200;
	s26 =	simm.s32 $0x1A400  }
0x4: {  	s28 =	simm.s32 $0x1A600;
	s0 =	sand.u32 $0x1, s0;
	s3 =	sshll.u32 s2, $0x1  }
0x5: {  	s29 =	simm.s32 $0x1A800;
	s2 =	simm.s32 $0x0;
	s3 =	sor.u32 s0, s3  }
0x6: {  	[smem:$0x7FF] =	sst s2;
	s0 =	ssub.s32 $0x2, s0;
	s4 =	smul.u32 $0x3240, s3  }
0x7: {  	s30 =	simm.s32 $0x0;
	_ =	strace $0x80000047;
	s5 =	sshrl.u32 s0, $0x1  }
0x8: {  	s3 =	sshll.u32 s3, $0x6;
	s0 =	ssub.s32 s0, s5;
	s4 =	sadd.s32 s4, s1  }
0x9: {  	s1 =	sadd.s32 s3, s1;
	s16 =	smax.u32 s0, $0x1;
	s3 =	sadd.s32 $0x1000, s4  }
0xa: {  	s4 =	sadd.s32 $0x65800, s1;
	s5 =	sadd.s32 $0x66000, s1;
	s6 =	sadd.s32 $0x66800, s1  }
0xb: {  	s7 =	sadd.s32 $0x67000, s1;
	s8 =	sadd.s32 $0x67800, s1;
	s9 =	sadd.s32 $0x68000, s1  }
0xc: {  	v0 =	vlaneseq.u32;
	s10 =	sadd.s32 $0x68800, s1;
	s11 =	sadd.s32 $0x69000, s1;
	s12 =	sadd.s32 $0x69800, s1  }
0xd: {  	v1 =	vimm.f32 $1.000000000e+00;
	v0 =	vmul.u32 $0xC9, v0;
	s13 =	sadd.s32 $0x6A000, s1;
	s14 =	sadd.s32 $0x6A800, s1;
	s15 =	sadd.s32 $0x6B000, s1  }
.LBB2_1:
0xe: {  	[tilespmem:s2], [sflag:$0x1] =	stream.linear.gather [hbm4b:s3+s2], $0x19200, $0x38;
	[tilespmem:$0x1AA00] =	vst v63  }
0xf: {  	_ =	swait.ge [sflag:s17], $0x19200  }
0x10: {  	[sflag:s17] =	ssyncset.done $0x0  }
0x11: {  	s31 =	simm.s32 $0x19200;
	[sflag:s17] =	ssyncadd.s32 $0xFFFE6E00  }
0x12: {  	[tilespmem:s31], [sflag:$0x1] =	stream.linear.gather [hbm4b:s4+s2], $0x200, $0x38;
	[tilespmem:$0x1AA00] =	vst v63  }
0x13: {  	_ =	swait.ge [sflag:s17], $0x200  }
0x14: {  	[sflag:s17] =	ssyncset.done $0x0  }
0x15: {  	s0 =	simm.s32 $0x19400;
	[sflag:s17] =	ssyncadd.s32 $0xFFFFFE00  }
0x16: {  	[tilespmem:s0], [sflag:$0x1] =	stream.linear.gather [hbm4b:s5+s2], $0x200, $0x38;
	[tilespmem:$0x1AA00] =	vst v63  }
0x17: {  	_ =	swait.ge [sflag:s17], $0x200  }
0x18: {  	[sflag:s17] =	ssyncset.done $0x0  }
0x19: {  	s18 =	simm.s32 $0x19600;
	[sflag:s17] =	ssyncadd.s32 $0xFFFFFE00  }
0x1a: {  	[tilespmem:s18], [sflag:$0x1] =	stream.linear.gather [hbm4b:s6+s2], $0x200, $0x38;
	[tilespmem:$0x1AA00] =	vst v63  }
0x1b: {  	_ =	swait.ge [sflag:s17], $0x200  }
0x1c: {  	[sflag:s17] =	ssyncset.done $0x0  }
0x1d: {  	s19 =	simm.s32 $0x19800;
	[sflag:s17] =	ssyncadd.s32 $0xFFFFFE00  }
0x1e: {  	[tilespmem:s19], [sflag:$0x1] =	stream.linear.gather [hbm4b:s7+s2], $0x200, $0x38;
	[tilespmem:$0x1AA00] =	vst v63  }
0x1f: {  	_ =	swait.ge [sflag:s17], $0x200  }
0x20: {  	[sflag:s17] =	ssyncset.done $0x0  }
0x21: {  	s20 =	simm.s32 $0x19A00;
	[sflag:s17] =	ssyncadd.s32 $0xFFFFFE00  }
0x22: {  	[tilespmem:s20], [sflag:$0x1] =	stream.linear.gather [hbm4b:s8+s2], $0x200, $0x38;
	[tilespmem:$0x1AA00] =	vst v63  }
0x23: {  	_ =	swait.ge [sflag:s17], $0x200  }
0x24: {  	[sflag:s17] =	ssyncset.done $0x0  }
0x25: {  	s21 =	simm.s32 $0x19C00;
	[sflag:s17] =	ssyncadd.s32 $0xFFFFFE00  }
0x26: {  	[tilespmem:s21], [sflag:$0x1] =	stream.linear.gather [hbm4b:s9+s2], $0x200, $0x38;
	[tilespmem:$0x1AA00] =	vst v63  }
0x27: {  	_ =	swait.ge [sflag:s17], $0x200  }
0x28: {  	[sflag:s17] =	ssyncset.done $0x0  }
0x29: {  	s22 =	simm.s32 $0x19E00;
	[sflag:s17] =	ssyncadd.s32 $0xFFFFFE00  }
0x2a: {  	[tilespmem:s22], [sflag:$0x1] =	stream.linear.gather [hbm4b:s10+s2], $0x200, $0x38;
	[tilespmem:$0x1AA00] =	vst v63  }
0x2b: {  	_ =	swait.ge [sflag:s17], $0x200  }
0x2c: {  	[sflag:s17] =	ssyncset.done $0x0  }
0x2d: {  	[sflag:s17] =	ssyncadd.s32 $0xFFFFFE00  }
0x2e: {  	[tilespmem:s24], [sflag:$0x1] =	stream.linear.gather [hbm4b:s11+s2], $0x200, $0x38;
	[tilespmem:$0x1AA00] =	vst v63  }
0x2f: {  	_ =	swait.ge [sflag:s17], $0x200  }
0x30: {  	[sflag:s17] =	ssyncset.done $0x0  }
0x31: {  	[sflag:s17] =	ssyncadd.s32 $0xFFFFFE00  }
0x32: {  	[tilespmem:s25], [sflag:$0x1] =	stream.linear.gather [hbm4b:s12+s2], $0x200, $0x38;
	[tilespmem:$0x1AA00] =	vst v63  }
0x33: {  	_ =	swait.ge [sflag:s17], $0x200  }
0x34: {  	[sflag:s17] =	ssyncset.done $0x0  }
0x35: {  	[sflag:s17] =	ssyncadd.s32 $0xFFFFFE00  }
0x36: {  	[tilespmem:s26], [sflag:$0x1] =	stream.linear.gather [hbm4b:s13+s2], $0x200, $0x38;
	[tilespmem:$0x1AA00] =	vst v63  }
0x37: {  	_ =	swait.ge [sflag:s17], $0x200  }
0x38: {  	[sflag:s17] =	ssyncset.done $0x0  }
0x39: {  	[sflag:s17] =	ssyncadd.s32 $0xFFFFFE00  }
0x3a: {  	s23 =	sand.u32 $0x1F0, s2;
	v6 =	vld [tilespmem:s31+$0x0]  }
0x3b: {  	v2 =	vld [tilespmem:s23+$0x1A200]  }
0x3c: {  	v3 =	vld [tilespmem:s23+$0x19E00]  }
0x3d: {  	v5 =	vld [tilespmem:s23+$0x19C00]  }
0x3e: {  	v7 =	vld [tilespmem:s23+$0x19800]  }
0x3f: {  	v11 =	vld [tilespmem:s23+$0x19400]  }
0x40: {  	v10 =	vld [tilespmem:s23+$0x19600]  }
0x41: {  	v9 =	vimm.s32 $0x0;
	v4 =	vld [tilespmem:s23+$0x19A00]  }
0x42: {  	vm2 =	vne.s32 v6, v2;
	vm0 =	vne.s32 v6, $0x0;
	vm1 =	vne.s32 v2, $0x0  }
0x43: {  	vm3 =	vne.s32 v3, $0x0;
	vm4 =	vne.s32 v6, v3;
	vm5 =	vne.s32 v6, v5  }
0x44: {  	vm6 =	vne.s32 v7, $0x0;
	vm7 =	vne.s32 v11, $0x0;
	v9 =	vsel vm1, $0xFFFFFFFF, v9  }
0x45: {  	vm8 =	vne.s32 v10, $0x0;
	vm9 =	vne.s32 v10, v3;
	[tilespmem:$0x1FFF0] =	vst v9;
	v9 =	vimm.s32 $0x0  }
0x46: {  	vm11 =	vne.s32 v6, v4;
	vm12 =	vne.s32 v6, v10;
	v9 =	vsel vm3, $0xFFFFFFFF, v9  }
0x47: {  	vm13 =	vne.s32 v11, v3;
	vm3 =	vne.s32 v4, v3;
	[tilespmem:$0x1FFA0] =	vst v9;
	v9 =	vimm.s32 $0x0  }
0x48: {  	vm14 =	vne.s32 v11, v5;
	vm1 =	vne.s32 v4, v2;
	v9 =	vsel vm3, $0xFFFFFFFF, v9  }
0x49: {  	vm7 =	vmand vm0, vm7;
	vm4 =	vmand vm4, vm13;
	[tilespmem:$0x1FF90] =	vst v9;
	v9 =	vimm.s32 $0x0  }
0x4a: {  	vm13 =	vne.s32 v11, v4;
	vm5 =	vmand vm5, vm14;
	v9 =	vsel vm0, $0xFFFFFFFF, v9  }
0x4b: {  	vm14 =	vne.s32 v11, v10;
	vm11 =	vmand vm11, vm13;
	vm13 =	vne.s32 v6, v11;
	[tilespmem:$0x1FF70] =	vst v9;
	v9 =	vld [tilespmem:s23+$0x1A000]  }
0x4c: {  	vm8 =	vmand vm7, vm8;
	vm12 =	vmand vm12, vm14;
	vm14 =	vne.s32 v11, v7  }
0x4d: {  	vm4 =	vmand vm9, vm4;
	vm9 =	vne.s32 v11, v2;
	vm15 =	vmand vm12, vm8  }
0x4e: {  	vm2 =	vmand vm2, vm9;
	vm3 =	vmand vm13, vm7;
	vm7 =	vne.s32 v6, v7  }
0x4f: {  	vm12 =	vne.s32 v7, v2;
	vm13 =	vne.s32 v10, v2;
	vm7 =	vmand vm7, vm14  }
0x50: {  	vm0 =	vmand vm8, vm6;
	vm8 =	vne.s32 v6, v9;
	vm9 =	vne.s32 v11, v9  }
0x51: {  	vm2 =	vmand vm13, vm2;
	vm13 =	vmand vm8, vm9;
	vm9 =	vne.s32 v10, v5  }
0x52: {  	vm2 =	vmand vm12, vm2;
	vm14 =	vmand vm9, vm5;
	vm9 =	vne.s32 v10, v4  }
0x53: {  	vm1 =	vmand vm1, vm2;
	vm9 =	vmand vm9, vm11;
	vm11 =	vne.s32 v5, v2  }
0x54: {  	vm1 =	vmand vm11, vm1;
	vm11 =	vne.s32 v3, v2  }
0x55: {  	vm11 =	vmand vm11, vm1;
	vm1 =	vne.s32 v10, v7  }
0x56: {  	vm12 =	vne.s32 v4, $0x0;
	vm1 =	vmand vm1, vm7  }
0x57: {  	v14 =	vimm.s32 $0x0;
	vm5 =	vmand vm0, vm12;
	vm0 =	vmand vm0, vm1  }
0x58: {  	v14 =	vsel vm0, $0xFFFFFFFF, v14  }
0x59: {  	vm0 =	vne.s32 v4, v5;
	[tilespmem:$0x1FFB0] =	vst v14;
	v14 =	vimm.s32 $0x0  }
0x5a: {  	v14 =	vsel vm0, $0xFFFFFFFF, v14  }
0x5b: {  	[tilespmem:$0x1FF80] =	vst v14;
	v14 =	vld [tilespmem:$0x1FF90]  }
0x5c: {  	v8 =	vadd.s32 s2, v0;
	v12 =	vld [tilespmem:s23+$0x1A400]  }
0x5d: {  	v13 =	vadd.s32 v8, v6;
	v15 =	vnsel vm15, $0x0, v10;
	vm8 =	vne.s32 v5, $0x0  }
0x5e: {  	v19 =	vadd.s32 v8, v15;
	vm2 =	vne.s32 v7, v4;
	vm6 =	vmand vm5, vm8  }
0x5f: {  	vm8 =	vne.s32 v5, v9;
	vm2 =	vmand vm2, vm9;
	vm9 =	vmmov vm3  }
0x60: {  	vm3 =	vne.s32 v7, v9;
	vm10 =	vmand vm5, vm2;
	vm0 =	vnez.u8 v14;
	v14 =	vld [tilespmem:$0x1FFA0]  }
0x61: {  	vm2 =	vne.s32 v10, v9;
	vm5 =	vne.s32 v6, v12;
	vm7 =	vne.s32 v5, v3  }
0x62: {  	vm2 =	vmand vm2, vm13;
	vm13 =	vne.s32 v4, v12;
	vm1 =	vne.s32 v7, v3  }
0x63: {  	v16 =	vld.idx.msk [tilespmem:v13+s2+$0x0], $0xffff;
	vm2 =	vmand vm3, vm2;
	vm3 =	vne.s32 v12, $0x0;
	vm1 =	vmand vm1, vm4  }
0x64: {  	vm4 =	vne.s32 v7, v5;
	vm3 =	vmand vm3, vm5;
	vm5 =	vmmov vm15;
	v13 =	vld [tilespmem:$0x1FFB0]  }
0x65: {  	vm14 =	vmand vm4, vm14;
	vm1 =	vmand vm0, vm1;
	vm0 =	vnez.u8 v14  }
0x66: {  	vm4 =	vne.s32 v9, $0x0;
	vm1 =	vmand vm7, vm1;
	vm0 =	vmand vm6, vm0  }
0x67: {  	vm12 =	vmand vm0, vm4;
	vm7 =	vmand vm0, vm1;
	vm0 =	vne.s32 v4, v9  }
0x68: {  	v14 =	vnsel vm9, $0x0, v11;
	vm0 =	vmand vm0, vm2;
	vm2 =	vne.s32 v5, v12  }
0x69: {  	v15 =	vld [tilespmem:$0x1FFF0];
	vm0 =	vmand vm8, vm0;
	vm8 =	vnez.u8 v13;
	v13 =	vimm.s32 $0x0  }
0x6a: {  	v14 =	vadd.s32 v8, v14;
	vm1 =	vne.s32 v3, v9;
	v13 =	vsel vm2, $0xFFFFFFFF, v13  }
0x6b: {  	v18 =	vnsel vm7, $0x0, v3;
	vm2 =	vne.s32 v9, v2;
	[tilespmem:$0x1FFC0] =	vst v13;
	v13 =	vimm.s32 $0x0  }
0x6c: {  	vm1 =	vmand vm1, vm0;
	vm0 =	vne.s32 v11, v12;
	v13 =	vsel vm2, $0xFFFFFFFF, v13  }
0x6d: {  	v17 =	vnsel vm8, $0x0, v7;
	vm0 =	vmand vm0, vm3;
	[tilespmem:$0x1FFD0] =	vst v13;
	v13 =	vimm.s32 $0x0  }
0x6e: {  	vm3 =	vne.s32 v7, v12;
	vm2 =	vnez.u8 v15;
	v13 =	vsel vm10, $0xFFFFFFFF, v13  }
0x6f: {  	s1 =	simm.s32 $0x1A800;
	s0 =	simm.s32 $0x1A600;
	s18 =	simm.s32 $0xC90;
	v15 =	vld.idx.msk [tilespmem:v14+s2+$0x0], $0xffff;
	v14 =	vadd.s32 v8, v17;
	v17 =	vadd.f32 $0.0e+00, v16;
	[tilespmem:$0x1FFE0] =	vst v13;
	v13 =	vnsel vm10, $0x0, v4  }
0x70: {  	s19 =	simm.s32 $0x1A810;
	s20 =	simm.s32 $0x0;
	s21 =	simm.s32 $0x1A600;
	v16 =	vld.idx.msk [tilespmem:v19+s2+$0x0], $0xffff;
	vm10 =	vmand vm12, vm2;
	vm2 =	vne.s32 v10, v12;
	v13 =	vadd.s32 v8, v13  }
.LBB2_2:
0x71: {  	v19 =	vld [tilespmem:$0x1FF80];
	_ =	sdelay $0x4  }
0x72: {  	vm4 =	vnez.u8 v19;
	v19 =	vld [tilespmem:$0x1FFD0];
	_ =	sdelay $0x3  }
0x73: {  	vm2 =	vmand vm2, vm0;
	vm4 =	vmand vm4, vm14  }
0x74: {  	vm0 =	vmand vm6, vm4;
	vm6 =	vmand vm12, vm1;
	vm1 =	vnez.u8 v19;
	v19 =	vld [tilespmem:$0x1FF70];
	_ =	sdelay $0x1  }
0x75: {  	v20 =	vld [tilespmem:$0x1FFC0];
	_ =	sdelay $0x2  }
0x76: {  	v18 =	vadd.s32 v8, v18;
	vm2 =	vmand vm3, vm2;
	vm4 =	vnez.u8 v19  }
0x77: {  	vm2 =	vmand vm13, vm2;
	v15 =	vnsel vm9, $0x0, v15;
	v17 =	vnsel vm4, $0x0, v17  }
0x78: {  	vm3 =	vnez.u8 v20;
	v15 =	vadd.f32 v15, v17;
	v17 =	vnsel vm0, $0x0, v5  }
0x79: {  	vm2 =	vmand vm3, vm2;
	vm3 =	vne.s32 v3, v12;
	v17 =	vadd.s32 v8, v17  }
0x7a: {  	v14 =	vld.idx.msk [tilespmem:v14+s2+$0x0], $0xffff;
	v6 =	vor.u32 v6, v11;
	vm2 =	vmand vm3, vm2;
	vm3 =	vne.s32 v9, v12  }
0x7b: {  	v6 =	vor.u32 v10, v6;
	v16 =	vnsel vm5, $0x0, v16;
	v20 =	vld [tilespmem:$0x1FFE0];
	vm2 =	vmand vm3, vm2  }
0x7c: {  	v13 =	vld.idx.msk [tilespmem:v13+s2+$0x0], $0xffff;
	vm3 =	vne.s32 v2, v12;
	vm1 =	vmand vm1, vm11;
	v19 =	vnsel vm6, $0x0, v9  }
0x7d: {  	vm1 =	vmand vm10, vm1;
	v19 =	vadd.s32 v8, v19;
	v15 =	vadd.f32 v16, v15;
	v16 =	vld.idx.msk [tilespmem:v18+s2+$0x0], $0xffff  }
0x7e: {  	v6 =	vor.u32 v7, v6;
	vm2 =	vmand vm3, vm2;
	v18 =	vnsel vm1, $0x0, v2;
	v11 =	vld.idx.msk [tilespmem:v17+s2+$0x0], $0xffff  }
0x7f: {  	v7 =	vnsel vm8, $0x0, v14;
	vm2 =	vmand vm10, vm2;
	v18 =	vadd.s32 v8, v18  }
0x80: {  	v10 =	vnsel vm2, $0x0, v12;
	vm4 =	vnez.u8 v20;
	v7 =	vadd.f32 v7, v15  }
0x81: {  	v13 =	vnsel vm4, $0x0, v13;
	v8 =	vadd.s32 v8, v10  }
0x82: {  	v4 =	vor.u32 v4, v6;
	v19 =	vld.idx.msk [tilespmem:v19+s2+$0x0], $0xffff;
	v6 =	vadd.f32 v13, v7  }
0x83: {  	v4 =	vor.u32 v5, v4;
	v7 =	vnsel vm0, $0x0, v11  }
0x84: {  	v3 =	vor.u32 v3, v4;
	v4 =	vld.idx.msk [tilespmem:v18+s2+$0x0], $0xffff;
	v6 =	vadd.f32 v7, v6  }
0x85: {  	v3 =	vor.u32 v9, v3;
	v14 =	vnsel vm7, $0x0, v16  }
0x86: {  	v2 =	vor.u32 v2, v3;
	v3 =	vld.idx.msk [tilespmem:v8+s2+$0x0], $0xffff;
	v6 =	vadd.f32 v14, v6  }
0x87: {  	v2 =	vor.u32 v12, v2;
	v5 =	vnsel vm6, $0x0, v19  }
0x88: {  	vm0 =	veq.s32 v2, $0x0;
	v2 =	vadd.f32 v5, v6  }
0x89: {  	v4 =	vnsel vm1, $0x0, v4  }
0x8a: {  	v2 =	vadd.f32 v4, v2  }
0x8b: {  	v3 =	vnsel vm2, $0x0, v3  }
0x8c: {  	v2 =	vadd.f32 v3, v2;
	_ =	sdelay $0x1  }
0x8d: {  	[tilespmem:s0+$0x0] =	vst v2;
	v2 =	vsel vm0, $0x0, v1  }
0x8e: {  	s20 =	sadd.s32 $0x10, s20;
	s31 =	sadd.s32 $0x10, s31;
	[tilespmem:s1+$0x0] =	vst v2  }
0x8f: {  	s23 =	sand.u32 $0x1F0, s20;
	v6 =	vld [tilespmem:s31+$0x0]  }
0x90: {  	v2 =	vld [tilespmem:s23+$0x1A200];
	_ =	sdelay $0x4  }
0x91: {  	v9 =	vimm.s32 $0x0;
	vm0 =	vne.s32 v6, v2  }
0x92: {  	v4 =	vld [tilespmem:s23+$0x19A00];
	v9 =	vsel vm0, $0xFFFFFFFF, v9  }
0x93: {  	v3 =	vld [tilespmem:s23+$0x19E00];
	vm1 =	vne.s32 v6, $0x0;
	[tilespmem:$0x1FE30] =	vst v9;
	v9 =	vimm.s32 $0x0  }
0x94: {  	v9 =	vsel vm1, $0xFFFFFFFF, v9  }
0x95: {  	vm0 =	vne.s32 v2, $0x0;
	[tilespmem:$0x1FF70] =	vst v9;
	v9 =	vimm.s32 $0x0  }
0x96: {  	v5 =	vld [tilespmem:s23+$0x19C00];
	v9 =	vsel vm0, $0xFFFFFFFF, v9  }
0x97: {  	vm0 =	vne.s32 v4, v2;
	[tilespmem:$0x1FF00] =	vst v9;
	v9 =	vimm.s32 $0x0  }
0x98: {  	v12 =	vimm.s32 $0x0;
	v9 =	vsel vm0, $0xFFFFFFFF, v9;
	vm0 =	vne.s32 v3, $0x0  }
0x99: {  	v12 =	vsel vm0, $0xFFFFFFFF, v12  }
0x9a: {  	v7 =	vld [tilespmem:s23+$0x19800];
	vm0 =	vne.s32 v4, v3;
	[tilespmem:$0x1FEB0] =	vst v12;
	v12 =	vimm.s32 $0x0  }
0x9b: {  	v13 =	vimm.s32 $0x0;
	v12 =	vsel vm0, $0xFFFFFFFF, v12;
	vm0 =	vne.s32 v5, $0x0  }
0x9c: {  	v13 =	vsel vm0, $0xFFFFFFFF, v13  }
0x9d: {  	vm0 =	vne.s32 v3, v2;
	[tilespmem:$0x1FE40] =	vst v13;
	v13 =	vimm.s32 $0x0  }
0x9e: {  	v13 =	vsel vm0, $0xFFFFFFFF, v13  }
0x9f: {  	vm0 =	vne.s32 v7, $0x0;
	[tilespmem:$0x1FEA0] =	vst v13;
	v13 =	vimm.s32 $0x0  }
0xa0: {  	v13 =	vsel vm0, $0xFFFFFFFF, v13  }
0xa1: {  	vm0 =	vne.s32 v7, v4;
	[tilespmem:$0x1FE20] =	vst v13;
	v13 =	vimm.s32 $0x0  }
0xa2: {  	v10 =	vld [tilespmem:s23+$0x19600];
	v13 =	vsel vm0, $0xFFFFFFFF, v13  }
0xa3: {  	vm0 =	vne.s32 v5, v3;
	[tilespmem:$0x1FE90] =	vst v13;
	v13 =	vimm.s32 $0x0  }
0xa4: {  	v13 =	vsel vm0, $0xFFFFFFFF, v13  }
0xa5: {  	vm0 =	vne.s32 v5, v2;
	[tilespmem:$0x1FF10] =	vst v13;
	v13 =	vimm.s32 $0x0  }
0xa6: {  	v13 =	vsel vm0, $0xFFFFFFFF, v13  }
0xa7: {  	vm0 =	vne.s32 v10, v4;
	[tilespmem:$0x1FE80] =	vst v13;
	v13 =	vimm.s32 $0x0  }
0xa8: {  	v13 =	vsel vm0, $0xFFFFFFFF, v13  }
0xa9: {  	vm0 =	vne.s32 v7, v3;
	[tilespmem:$0x1FE70] =	vst v13;
	v13 =	vimm.s32 $0x0  }
0xaa: {  	v13 =	vsel vm0, $0xFFFFFFFF, v13  }
0xab: {  	v11 =	vld [tilespmem:s23+$0x19400];
	vm0 =	vne.s32 v4, v5;
	[tilespmem:$0x1FEC0] =	vst v13;
	v13 =	vimm.s32 $0x0  }
0xac: {  	[tilespmem:$0x1FEF0] =	vst v12;
	v12 =	vld [tilespmem:s23+$0x1A400];
	v13 =	vsel vm0, $0xFFFFFFFF, v13  }
0xad: {  	vm0 =	vne.s32 v7, v2;
	[tilespmem:$0x1FF80] =	vst v13;
	v13 =	vimm.s32 $0x0  }
0xae: {  	[tilespmem:$0x1FE60] =	vst v9;
	v9 =	vld [tilespmem:s23+$0x1A000];
	v13 =	vsel vm0, $0xFFFFFFFF, v13  }
0xaf: {  	vm0 =	vne.s32 v7, v5;
	[tilespmem:$0x1FE50] =	vst v13;
	v13 =	vimm.s32 $0x0  }
0xb0: {  	vm9 =	vne.s32 v6, v3;
	v13 =	vsel vm0, $0xFFFFFFFF, v13;
	vm0 =	vne.s32 v11, v3  }
0xb1: {  	[tilespmem:$0x1FEE0] =	vst v13;
	vm6 =	vmand vm9, vm0;
	vm0 =	vne.s32 v5, v12;
	v13 =	vimm.s32 $0x0  }
0xb2: {  	v13 =	vsel vm0, $0xFFFFFFFF, v13  }
0xb3: {  	vm0 =	vne.s32 v3, v9;
	[tilespmem:$0x1FFC0] =	vst v13;
	v13 =	vimm.s32 $0x0  }
0xb4: {  	vm3 =	vne.s32 v6, v5;
	v13 =	vsel vm0, $0xFFFFFFFF, v13  }
0xb5: {  	vm4 =	vne.s32 v11, $0x0;
	vm0 =	vne.s32 v9, $0x0;
	[tilespmem:$0x1FF50] =	vst v13;
	v13 =	vimm.s32 $0x0  }
0xb6: {  	vm4 =	vmand vm1, vm4;
	vm1 =	vne.s32 v11, v5;
	v13 =	vsel vm0, $0xFFFFFFFF, v13  }
0xb7: {  	vm12 =	vmand vm3, vm1;
	vm1 =	vne.s32 v5, v9;
	[tilespmem:$0x1FED0] =	vst v13;
	v13 =	vimm.s32 $0x0  }
0xb8: {  	v13 =	vsel vm1, $0xFFFFFFFF, v13  }
0xb9: {  	vm1 =	vne.s32 v4, v9;
	[tilespmem:$0x1FF40] =	vst v13;
	v13 =	vimm.s32 $0x0  }
0xba: {  	vm10 =	vne.s32 v6, v10;
	vm3 =	vne.s32 v11, v10;
	v13 =	vsel vm1, $0xFFFFFFFF, v13  }
0xbb: {  	vm10 =	vmand vm10, vm3;
	vm3 =	vne.s32 v9, v2;
	[tilespmem:$0x1FF30] =	vst v13;
	v13 =	vimm.s32 $0x0  }
0xbc: {  	v13 =	vsel vm3, $0xFFFFFFFF, v13  }
0xbd: {  	[tilespmem:$0x1FFD0] =	vst v13;
	v13 =	vld [tilespmem:$0x1FE20];
	_ =	sdelay $0x4  }
0xbe: {  	vm3 =	vnez.u8 v13;
	v13 =	vld [tilespmem:$0x1FE30];
	_ =	sdelay $0x1  }
0xbf: {  	vm5 =	vne.s32 v10, $0x0;
	vm8 =	vne.s32 v10, v3  }
0xc0: {  	vm11 =	vne.s32 v6, v4;
	vm7 =	vne.s32 v6, v11;
	vm9 =	vne.s32 v11, v4  }
0xc1: {  	vm14 =	vne.s32 v11, v7;
	vm2 =	vmand vm7, vm4;
	vm11 =	vmand vm11, vm9  }
0xc2: {  	vm9 =	vne.s32 v6, v7;
	vm0 =	vmand vm4, vm5;
	vm4 =	vnez.u8 v13;
	v13 =	vld [tilespmem:$0x1FE40]  }
0xc3: {  	v15 =	vld [tilespmem:$0x1FE50];
	vm9 =	vmand vm9, vm14;
	vm14 =	vmand vm8, vm6;
	vm5 =	vne.s32 v10, v2  }
0xc4: {  	vm8 =	vmand vm10, vm0;
	vm1 =	vne.s32 v11, v2;
	vm3 =	vmand vm0, vm3  }
0xc5: {  	vm0 =	vne.s32 v6, v9;
	vm1 =	vmand vm4, vm1;
	vm4 =	vne.s32 v11, v9  }
0xc6: {  	vm5 =	vmand vm5, vm1;
	vm4 =	vmand vm0, vm4  }
0xc7: {  	vm0 =	vne.s32 v7, v9;
	vm1 =	vnez.u8 v13;
	v13 =	vimm.s32 $0x0  }
0xc8: {  	v13 =	vsel vm0, $0xFFFFFFFF, v13;
	vm0 =	vnez.u8 v15;
	v15 =	vld [tilespmem:$0x1FE60];
	_ =	sdelay $0x2  }
0xc9: {  	vm15 =	vne.s32 v4, $0x0  }
0xca: {  	vm10 =	vmand vm3, vm15  }
0xcb: {  	vm6 =	vmand vm10, vm1;
	vm1 =	vnez.u8 v15;
	v15 =	vld [tilespmem:$0x1FE70];
	_ =	sdelay $0x3  }
0xcc: {  	vm0 =	vmand vm0, vm5  }
0xcd: {  	s22 =	smov.u32 s18;
	vm5 =	vmand vm1, vm0;
	vm0 =	vnez.u8 v15;
	v15 =	vld [tilespmem:$0x1FE80]  }
0xce: {  	v8 =	vadd.s32 s22, v0  }
0xcf: {  	v14 =	vadd.s32 v8, v6;
	_ =	sdelay $0x2  }
0xd0: {  	vm11 =	vmand vm0, vm11;
	vm0 =	vnez.u8 v15  }
0xd1: {  	v15 =	vimm.s32 $0x0;
	vm5 =	vmand vm0, vm5;
	vm0 =	vne.s32 v11, v12  }
0xd2: {  	v19 =	vld.idx.msk [tilespmem:v14+s2+$0x0], $0xffff;
	v15 =	vsel vm0, $0xFFFFFFFF, v15  }
0xd3: {  	[tilespmem:$0x1FF60] =	vst v15;
	v15 =	vld [tilespmem:$0x1FE90]  }
0xd4: {  	v14 =	vld [tilespmem:$0x1FEC0];
	_ =	sdelay $0x1  }
0xd5: {  	vm13 =	vne.s32 v10, v7  }
0xd6: {  	vm7 =	vne.s32 v10, v5;
	vm9 =	vmand vm13, vm9  }
0xd7: {  	vm15 =	vmand vm7, vm12;
	vm3 =	vmand vm3, vm9;
	vm12 =	vnez.u8 v15;
	v15 =	vld [tilespmem:$0x1FEA0]  }
0xd8: {  	vm9 =	vmmov vm2;
	[tilespmem:$0x1FF20] =	vst v13;
	v13 =	vnsel vm2, $0x0, v11;
	vm2 =	vnez.u8 v14;
	v14 =	vld [tilespmem:$0x1FED0];
	_ =	sdelay $0x3  }
0xd9: {  	vm7 =	vne.s32 v10, v9;
	vm12 =	vmand vm12, vm11;
	vm11 =	vnez.u8 v15;
	v15 =	vld [tilespmem:$0x1FEB0]  }
0xda: {  	vm4 =	vmand vm7, vm4;
	vm7 =	vmand vm2, vm14;
	vm2 =	vnez.u8 v14;
	v14 =	vld [tilespmem:$0x1FEE0];
	_ =	sdelay $0x3  }
0xdb: {  	vm11 =	vmand vm11, vm5;
	vm5 =	vmand vm10, vm12;
	vm10 =	vnez.u8 v15  }
0xdc: {  	vm13 =	vmand vm6, vm10;
	vm10 =	vnez.u8 v14;
	v14 =	vld [tilespmem:$0x1FEF0];
	_ =	sdelay $0x4  }
0xdd: {  	vm14 =	vmand vm10, vm15;
	vm10 =	vnez.u8 v14;
	v14 =	vld [tilespmem:$0x1FF00];
	_ =	sdelay $0x4  }
0xde: {  	vm7 =	vmand vm10, vm7;
	vm10 =	vnez.u8 v14;
	v14 =	vld [tilespmem:$0x1FF10];
	_ =	sdelay $0x4  }
0xdf: {  	vm15 =	vnez.u8 v14;
	v14 =	vld [tilespmem:$0x1FF20];
	_ =	sdelay $0x3  }
0xe0: {  	v17 =	vnsel vm3, $0x0, v7  }
0xe1: {  	vm7 =	vmand vm15, vm7;
	vm15 =	vnez.u8 v14;
	v14 =	vadd.s32 v8, v17;
	v17 =	vld [tilespmem:$0x1FF30];
	_ =	sdelay $0x3  }
0xe2: {  	vm1 =	vne.s32 v6, v12;
	vm0 =	vne.s32 v12, $0x0  }
0xe3: {  	vm0 =	vmand vm0, vm1;
	vm1 =	vnez.u8 v17;
	v17 =	vld [tilespmem:$0x1FF40];
	_ =	sdelay $0x3  }
0xe4: {  	vm4 =	vmand vm15, vm4  }
0xe5: {  	vm1 =	vmand vm1, vm4;
	vm4 =	vnez.u8 v17;
	v17 =	vadd.f32 $0.0e+00, v19;
	v19 =	vld [tilespmem:$0x1FF50];
	_ =	sdelay $0x2  }
0xe6: {  	v16 =	vnsel vm8, $0x0, v10  }
0xe7: {  	v16 =	vadd.s32 v8, v16;
	v15 =	vadd.s32 v8, v13  }
0xe8: {  	v13 =	vimm.s32 $0x0;
	vm1 =	vmand vm4, vm1;
	vm4 =	vnez.u8 v19;
	v19 =	vld [tilespmem:$0x1FF60]  }
0xe9: {  	p0 =	sne.s32 s18, $0x18570;
	v13 =	vsel vm5, $0xFFFFFFFF, v13  }
.Ltmp0:
0xea: {  	[tilespmem:$0x1FFE0] =	vst v13;
	v13 =	vnsel vm5, $0x0, v4;
	vm5 =	vmmov vm8;
	(pc) =	sbr.rel @p0 .LBB2_2-.Ltmp0, $4  }
0xeb: {  	vm8 =	vmmov vm3;
	vm3 =	vne.s32 v7, v12;
	vm12 =	vmand vm13, vm2  }
0xec: {  	vm2 =	vne.s32 v10, v12;
	v13 =	vadd.s32 v8, v13;
	vm10 =	vmand vm12, vm10  }
0xed: {  	s21 =	sadd.s32 $0x10, s21;
	s18 =	sadd.s32 $0xC90, s18;
	v16 =	vld.idx.msk [tilespmem:v16+s2+$0x0], $0xffff;
	vm7 =	vmand vm13, vm7;
	vm1 =	vmand vm4, vm1;
	vm4 =	vnez.u8 v19  }
0xee: {  	s0 =	smov.u32 s21;
	s1 =	smov.u32 s19;
	s19 =	sadd.s32 $0x10, s19;
	v15 =	vld.idx.msk [tilespmem:v15+s2+$0x0], $0xffff;
	vm13 =	vne.s32 v4, v12;
	v18 =	vnsel vm7, $0x0, v3;
	vm0 =	vmand vm4, vm0  }
0xef: {  	v19 =	vld [tilespmem:$0x1FF80]  }
0xf0: {  	v47 =	vld [tilespmem:$0x1FF70]  }
0xf1: {  	v20 =	vld [tilespmem:$0x1FFC0];
	_ =	sdelay $0x1  }
0xf2: {  	v46 =	vld [tilespmem:$0x1FFD0]  }
0xf3: {  	v18 =	vadd.s32 v8, v18  }
0xf4: {  	v16 =	vnsel vm5, $0x0, v16;
	v15 =	vnsel vm9, $0x0, v15;
	vm4 =	vnez.u8 v19  }
0xf5: {  	vm15 =	vnez.u8 v47;
	vm9 =	vnez.u8 v20;
	vm4 =	vmand vm4, vm14  }
0xf6: {  	vm14 =	vmmov vm8;
	vm8 =	vmand vm2, vm0;
	vm2 =	vmand vm6, vm4  }
0xf7: {  	vm0 =	vmand vm12, vm1;
	vm12 =	vnez.u8 v46;
	v48 =	vnsel vm2, $0x0, v5  }
0xf8: {  	v17 =	vnsel vm15, $0x0, v17;
	vm3 =	vmand vm3, vm8;
	v19 =	vadd.s32 v8, v48  }
0xf9: {  	v14 =	vld.idx.msk [tilespmem:v14+s2+$0x0], $0xffff;
	vm1 =	vmand vm12, vm11;
	v15 =	vadd.f32 v15, v17;
	vm3 =	vmand vm13, vm3  }
0xfa: {  	v52 =	vld [tilespmem:$0x1FFE0];
	v49 =	vnsel vm0, $0x0, v9;
	vm11 =	vne.s32 v3, v12;
	vm3 =	vmand vm9, vm3  }
0xfb: {  	v13 =	vld.idx.msk [tilespmem:v13+s2+$0x0], $0xffff;
	vm12 =	vne.s32 v9, v12;
	v17 =	vadd.s32 v8, v49;
	vm3 =	vmand vm11, vm3  }
0xfc: {  	vm1 =	vmand vm10, vm1;
	vm13 =	vne.s32 v2, v12;
	vm3 =	vmand vm12, vm3  }
0xfd: {  	v15 =	vadd.f32 v16, v15;
	v50 =	vnsel vm1, $0x0, v2;
	vm3 =	vmand vm13, vm3;
	v19 =	vld.idx.msk [tilespmem:v19+s2+$0x0], $0xffff  }
0xfe: {  	v14 =	vnsel vm14, $0x0, v14;
	v16 =	vadd.s32 v8, v50;
	vm3 =	vmand vm10, vm3  }
0xff: {  	v18 =	vld.idx.msk [tilespmem:v18+s2+$0x0], $0xffff;
	vm14 =	vnez.u8 v52;
	v14 =	vadd.f32 v14, v15;
	v51 =	vnsel vm3, $0x0, v12  }
0x100: {  	v13 =	vnsel vm14, $0x0, v13;
	v53 =	vadd.s32 v8, v51  }
0x101: {  	v54 =	vld.idx.msk [tilespmem:v17+s2+$0x0], $0xffff;
	v13 =	vadd.f32 v13, v14  }
0x102: {  	v55 =	vnsel vm2, $0x0, v19  }
0x103: {  	v6 =	vor.u32 v6, v11;
	v56 =	vld.idx.msk [tilespmem:v16+s2+$0x0], $0xffff;
	v13 =	vadd.f32 v55, v13  }
0x104: {  	v6 =	vor.u32 v10, v6;
	v57 =	vnsel vm7, $0x0, v18  }
0x105: {  	v6 =	vor.u32 v7, v6;
	v58 =	vld.idx.msk [tilespmem:v53+s2+$0x0], $0xffff;
	v59 =	vadd.f32 v57, v13  }
0x106: {  	v4 =	vor.u32 v4, v6;
	v60 =	vnsel vm0, $0x0, v54  }
0x107: {  	v4 =	vor.u32 v5, v4;
	v61 =	vadd.f32 v60, v59  }
0x108: {  	v3 =	vor.u32 v3, v4;
	v62 =	vnsel vm1, $0x0, v56  }
0x109: {  	v3 =	vor.u32 v9, v3;
	v63 =	vadd.f32 v62, v61  }
0x10a: {  	v2 =	vor.u32 v2, v3;
	v3 =	vnsel vm3, $0x0, v58  }
0x10b: {  	v2 =	vor.u32 v12, v2;
	v3 =	vadd.f32 v3, v63  }
0x10c: {  	vm15 =	veq.s32 v2, $0x0  }
0x10d: {  	v2 =	vsel vm15, $0x0, v1;
	[tilespmem:s0+$0x0] =	vst v3  }
0x10e: {  	[tilespmem:s1+$0x0] =	vst v2  }
0x10f: {  	[hbm4b:s14+s2] =	stream.linear.scatter [tilespmem:s28], [sflag:$0x1], $0x200, $0x38;
	[tilespmem:$0x1AA00] =	vst v63  }
0x110: {  	s30 =	sadd.s32 $0x1, s30;
	_ =	swait.ge [sflag:s17], $0x200  }
0x111: {  	p0 =	sne.s32 s30, s16;
	[sflag:s17] =	ssyncset.done $0x0  }
.Ltmp1:
0x112: {  	[sflag:s17] =	ssyncadd.s32 $0xFFFFFE00;
	(pc) =	sbr.rel @p0 .LBB2_1-.Ltmp1, $4  }
0x113: {  	[hbm4b:s15+s2] =	stream.linear.scatter [tilespmem:s29], [sflag:$0x1], $0x200, $0x38;
	[tilespmem:$0x1AA00] =	vst v63  }
0x114: {  	_ =	swait.ge [sflag:s17], $0x200  }
0x115: {  	[sflag:s17] =	ssyncset.done $0x0  }
0x116: {  	[sflag:s17] =	ssyncadd.s32 $0xFFFFFE00  }
0x117: {  	_ =	sfence.sel $0x180000  }
0x118: {  	[bflag:$0x0] =	sbarrier.arrive $0xFFFF  }
0x119: {  	_ =	strace $0x90000047  }
0x11a: {  	s0 =	stileid.u32;
	[bflag:$0x2] =	sbarrier.arrive $0xFFFF  }
0x11b: {  	p0 =	sne.s32 s0, $0x0;
	s0 =	rddreg [dreg:$0x1]  }
0x11c: {  	s0 =	sadd.s32 @!p0 $0x100000, s0  }
0x11d: {  	[sflag:s0] =	ssyncadd.tile.s32 @!p0 $0x1;
	_ =	shalt  }
.Lfunc_end2:
_tile_overlayer_lowered:
.L_overlay_start_2:
0x11e: {  	(tag) =	ssettag $0x2  }
0x11f: {  	s0 =	rddreg [dreg:$0x0];
	s2 =	stileid.u32  }
0x120: {  	s1 =	rddreg [dreg:$0x1];
	p0 =	sne.s32 s2, $0x0  }
0x121: {  	s3 =	rddreg [dreg:$0x2];
	[bflag:$0x3] =	sbarrier.arrive $0xFFFF;
	s2 =	simm.s32 @!p0 $0x1C01  }
0x122: {  	[timem:s3], [sflag:s2] =	dma.local @!p0 [hbm:s0], s1  }
0x123: {  	s0 =	simm.s32 @!p0 $0x1  }
0x124: {  	_ =	swait.ge @!p0 [sflag:s0], s1  }
0x125: {  	s1 =	ssub.s32 @!p0 $0x0, s1;
	[sflag:s0] =	ssyncset.done @!p0 $0x0  }
0x126: {  	[sflag:s0] =	ssyncadd.s32 @!p0 s1  }
0x127: {  	[bflag:$0x3] =	sbarrier.arrive $0xFFFF  }
0x128: {  	_ =	shalt  }

</sc_bundles>
